<compile_context>
chip_gen: v7x
topology: tpu7x:2x2x1
jax: 0.10.2.dev20260603
libtpu: 0.0.44.dev20260713+nightly
codegen_flags: <defaults>
</compile_context>

<pallas_src>
import functools

import jax
import jax.numpy as jnp
from jax import lax
from jax.experimental import pallas as pl
from jax.experimental.pallas import tpu as pltpu
from jax.experimental.pallas import tpu_sc as plsc

NUCLEUS_PROB = 0.8
NEG_FILL = -10000.0
ROW_BLOCK = 8
NBUCKETS = 16384
BUCKET_SHIFT = 18
SC_CHUNK = 12800
ROWS_PER_WORKER = 4


def _ordered_key_u32(x):
    b = jax.lax.bitcast_convert_type(x, jnp.uint32)
    neg = (b >> 31) == jnp.uint32(1)
    return jnp.where(neg, ~b, b | jnp.uint32(0x80000000))


def _rowmax_kernel(l_ref, m_ref):
    m = jnp.max(l_ref[...], axis=1)
    m_ref[...] = jnp.broadcast_to(m[:, None], m_ref.shape)


def _sc_hist_kernel(l_hbm, m_hbm, out_hbm, buf, hist, m_v, sem):
    wid = lax.axis_index("s") * 2 + lax.axis_index("c")
    r0 = wid * ROWS_PER_WORKER

    pltpu.sync_copy(m_hbm, m_v)

    zeros16 = jnp.zeros((16,), jnp.float32)

    def zbody(i, _):
        hist[pl.ds(i * 16, 16)] = zeros16
        return 0

    lax.fori_loop(0, (ROWS_PER_WORKER * NBUCKETS) // 16, zbody, 0)

    v = 100000

    for rloc in range(ROWS_PER_WORKER):
        row = r0 + rloc
        m_b = m_v[pl.ds(row * 16, 16)]
        base_bucket = jnp.zeros((16,), jnp.int32) + rloc * NBUCKETS

        def chunk_body(ci, _):
            pltpu.sync_copy(l_hbm.at[row, pl.ds(ci * SC_CHUNK, SC_CHUNK)], buf)

            def vec_body(i, _):
                for u in range(4):
                    lv = buf[pl.ds(i * 64 + u * 16, 16)]
                    key = _ordered_key_u32(lv)
                    bucket = (key >> jnp.uint32(BUCKET_SHIFT)).astype(jnp.int32)
                    ev = jnp.exp(lv - m_b)
                    plsc.addupdate_scatter(hist, [base_bucket + bucket], ev)
                return 0

            lax.fori_loop(0, SC_CHUNK // 64, vec_body, 0)
            return 0

        lax.fori_loop(0, v // SC_CHUNK, chunk_body, 0)

    pltpu.sync_copy(hist, out_hbm.at[pl.ds(r0 * NBUCKETS, ROWS_PER_WORKER * NBUCKETS)])


def _sc_histograms(next_logits, m_col):
    mesh = plsc.VectorSubcoreMesh(core_axis_name="c", subcore_axis_name="s")
    b, v = next_logits.shape

    run = functools.partial(
        pl.kernel,
        mesh=mesh,
        compiler_params=pltpu.CompilerParams(needs_layout_passes=False),
        out_type=jax.ShapeDtypeStruct((b * NBUCKETS,), jnp.float32),
        scratch_types=[
            pltpu.VMEM((SC_CHUNK,), jnp.float32),
            pltpu.VMEM((ROWS_PER_WORKER * NBUCKETS,), jnp.float32),
            pltpu.VMEM((b * 16,), jnp.float32),
            pltpu.SemaphoreType.DMA,
        ],
    )(_sc_hist_kernel)
    hist = run(next_logits, m_col)
    return hist.reshape(b, NBUCKETS)


def _mask_kernel(l_ref, hist_ref, colmask_ref):
    hist = hist_ref[...]
    z = jnp.sum(hist, axis=1, keepdims=True)
    theta_z = jnp.float32(NUCLEUS_PROB) * z + jnp.float32(1.0)

    bucket = jax.lax.broadcasted_iota(jnp.int32, hist.shape, 1)

    def body(_, carry):
        lo, hi = carry
        mid = lo + ((hi - lo) >> 1)
        s_above = jnp.sum(jnp.where(bucket > mid, hist, 0.0), axis=1,
                          keepdims=True)
        ok = s_above <= theta_z
        return jnp.where(ok, lo, mid + 1), jnp.where(ok, mid, hi)

    rb = hist.shape[0]
    lo0 = jnp.zeros((rb, 1), jnp.int32)
    hi0 = jnp.full((rb, 1), NBUCKETS - 1, jnp.int32)
    _, c = lax.fori_loop(0, 14, body, (lo0, hi0))
    cut = (c.astype(jnp.uint32) + jnp.uint32(1)) * jnp.uint32(1 << BUCKET_SHIFT) - jnp.uint32(1)

    key = _ordered_key_u32(l_ref[...])
    kept = key > cut
    contrib = jnp.max(jnp.where(kept, 0.0, 1.0), axis=0, keepdims=True)

    i = pl.program_id(0)

    @pl.when(i == 0)
    def _init():
        colmask_ref[...] = contrib

    @pl.when(i > 0)
    def _acc():
        colmask_ref[...] = jnp.maximum(colmask_ref[...], contrib)


def _apply_kernel(l_ref, g_ref, colmask_ref, probs_ref, tok_ref):
    l = l_ref[...]
    masked = colmask_ref[...] > 0.0
    ml = jnp.where(masked, jnp.float32(NEG_FILL), l)
    m2 = jnp.max(ml, axis=1, keepdims=True)
    e2 = jnp.exp(ml - m2)
    s2 = jnp.sum(e2, axis=1, keepdims=True)
    probs_ref[...] = e2 / s2

    z = ml + g_ref[...]
    zmax = jnp.max(z, axis=1, keepdims=True)
    v = z.shape[1]
    lane = jax.lax.broadcasted_iota(jnp.int32, z.shape, 1)
    tok = jnp.min(jnp.where(z == zmax, lane, v), axis=1)
    tok_ref[...] = jnp.broadcast_to(tok[:, None], tok_ref.shape)


def kernel(next_logits):
    b, v = next_logits.shape
    rb = ROW_BLOCK
    grid = b // rb

    m_tile = pl.pallas_call(
        _rowmax_kernel,
        grid=(grid,),
        in_specs=[pl.BlockSpec((rb, v), lambda i: (i, 0))],
        out_specs=pl.BlockSpec((rb, 128), lambda i: (i, 0)),
        out_shape=jax.ShapeDtypeStruct((b, 128), jnp.float32),
    )(next_logits)
    m_col = m_tile[:, :16].reshape(b * 16)

    hist = _sc_histograms(next_logits, m_col)

    colmask = pl.pallas_call(
        _mask_kernel,
        grid=(grid,),
        in_specs=[
            pl.BlockSpec((rb, v), lambda i: (i, 0)),
            pl.BlockSpec((rb, NBUCKETS), lambda i: (i, 0)),
        ],
        out_specs=pl.BlockSpec((1, v), lambda i: (0, 0)),
        out_shape=jax.ShapeDtypeStruct((1, v), jnp.float32),
    )(next_logits, hist)

    gum = jax.random.gumbel(jax.random.key(1), (b, v), jnp.float32)

    probs, tok = pl.pallas_call(
        _apply_kernel,
        grid=(grid,),
        in_specs=[
            pl.BlockSpec((rb, v), lambda i: (i, 0)),
            pl.BlockSpec((rb, v), lambda i: (i, 0)),
            pl.BlockSpec((1, v), lambda i: (0, 0)),
        ],
        out_specs=[
            pl.BlockSpec((rb, v), lambda i: (i, 0)),
            pl.BlockSpec((rb, 128), lambda i: (i, 0)),
        ],
        out_shape=[
            jax.ShapeDtypeStruct((b, v), jnp.float32),
            jax.ShapeDtypeStruct((b, 128), jnp.int32),
        ],
    )(next_logits, gum, colmask)

    return tok[:, :1], probs

# --- scband reference (transcript-rebuilt; emitter-appended) ---
"""Pipeline reference for scband-sampler-30382598652517 (READ-ONLY COPY).

The authoritative reference and input builder live on the scoring server;
editing this copy changes nothing except your own understanding.
"""

import jax, jax.numpy as jnp
import numpy as np

MODE = 'nucleus'
NUCLEUS_PROB = 0.8
NEG_FILL = -10000.0


def _nucleus_masked_logits(next_logits, nucleus_prob):
    # Faithful translation of the torch sample_step 'nucleus' branch.
    B, V = next_logits.shape
    # torch: sorted_logits, inds = next_logits.sort(dim=1, descending=True)
    order = jnp.argsort(-next_logits, axis=1)
    sorted_logits = jnp.take_along_axis(next_logits, order, axis=1)
    sorted_probs = jax.nn.softmax(sorted_logits, axis=1)
    probs_cum_sum = jnp.cumsum(sorted_probs, axis=1)
    min_prob = nucleus_prob + probs_cum_sum[:, :1]
    mask = probs_cum_sum > min_prob
    # torch: mask_inds = masked_select(inds, mask); next_logits.index_fill(1, mask_inds, -10000)
    # index_fill on dim=1 fills those vocab columns for ALL rows; reproduce that.
    flat_inds = jnp.where(mask.ravel(), order.ravel(), V)  # V = out-of-range sentinel
    col_mask = jnp.zeros((V,), dtype=bool).at[flat_inds].set(True, mode='drop')
    masked_logits = jnp.where(col_mask[None, :], NEG_FILL, next_logits)
    return masked_logits


def setup_inputs(seed: int = 0) -> dict:
    key = jax.random.key(seed)
    next_logits = jax.random.normal(key, (128, 100000), dtype=jnp.float32)
    return {"next_logits": next_logits}


def reference(next_logits):
    masked_logits = _nucleus_masked_logits(next_logits, NUCLEUS_PROB)
    probs = jax.nn.softmax(masked_logits, axis=1)
    # torch.multinomial(probs, num_samples=1) -> categorical sample, shape (B, 1)
    skey = jax.random.key(1)
    tokens = jax.random.categorical(skey, masked_logits, axis=1)[:, None]
    return tokens, probs

if __name__ == "__main__":
    import jax
    _d = setup_inputs()
    print(jax.jit(kernel)(*tuple(_d.values())))

</pallas_src>

<mosaic_0001>
#map = affine_map<(d0, d1) -> (0, 0)>
#map1 = affine_map<(d0, d1) -> (0)>
module attributes {stable_mosaic.version = 14 : i64} {
  func.func @_sc_hist_kernel(%arg0: i32, %arg1: i32, %arg2: memref<128x100000xf32, #tpu.memory_space<hbm>>, %arg3: memref<2048xf32, #tpu.memory_space<hbm>>, %arg4: memref<2097152xf32, #tpu.memory_space<hbm>>, %arg5: memref<12800xf32, #tpu.memory_space<vmem>>, %arg6: memref<65536xf32, #tpu.memory_space<vmem>>, %arg7: memref<2048xf32, #tpu.memory_space<vmem>>, %arg8: memref<!tpu.dma_semaphore, #tpu.memory_space<semaphore_mem>>) attributes {dimension_semantics = [#tpu.dimension_semantics<core_parallel>, #tpu.dimension_semantics<subcore_parallel>], iteration_bounds = array<i64: 2, 16>, scalar_prefetch = 0 : i64, scratch_operands = 4 : i64, tpu.core_type = #tpu.core_type<sc_vector_subcore>, window_params = [{transform_indices = #map}, {transform_indices = #map1}, {transform_indices = #map1}]} {
    %mul3A = arith.constant 2 : i32
    %mul3A_0 = arith.muli %arg1, %mul3A : i32
    %add3A = arith.addi %mul3A_0, %arg0 : i32
    %mul3A_1 = arith.constant 4 : i32
    %mul3A_2 = arith.muli %add3A, %mul3A_1 : i32
    "tpu.region"() ({
      %run_scoped3A = tpu.sem_alloc : memref<!tpu.dma_semaphore, #tpu.memory_space<semaphore_mem>>
      tpu.enqueue_dma source(%arg3 : memref<2048xf32, #tpu.memory_space<hbm>>) target(%arg7 : memref<2048xf32, #tpu.memory_space<vmem>>) target_semaphore(%run_scoped3A : memref<!tpu.dma_semaphore, #tpu.memory_space<semaphore_mem>>)
      tpu.wait_dma2 semaphore(%run_scoped3A : memref<!tpu.dma_semaphore, #tpu.memory_space<semaphore_mem>>) src(%arg3 : memref<2048xf32, #tpu.memory_space<hbm>>) dst(%arg7 : memref<2048xf32, #tpu.memory_space<vmem>>)
      tpu.yield
    }) : () -> ()
    %broadcast_in_dim3A = arith.constant 0.000000e+00 : f32
    %broadcast_in_dim3A_3 = vector.broadcast %broadcast_in_dim3A : f32 to vector<16xf32>
    %scan3A = arith.constant 0 : i32
    %scan3A_4 = arith.constant 0 : i32
    %scan3A_5 = arith.constant 4096 : i32
    %scan3A_6 = arith.addi %scan3A_4, %scan3A_5 : i32
    %scan3A_7 = arith.constant 1 : i32
    %scan3A_8 = scf.for %scan3A_83 = %scan3A_4 to %scan3A_6 step %scan3A_7 iter_args(%scan3A_84 = %scan3A) -> (i32)  : i32 {
      %mul3A_85 = arith.constant 16 : i32
      %mul3A_86 = arith.muli %scan3A_83, %mul3A_85 : i32
      %swap3A = arith.index_cast %mul3A_86 : i32 to index
      %swap3A_87 = tpu.vector_load %arg6[%swap3A] {strides = array<i32>} : memref<65536xf32, #tpu.memory_space<vmem>>, vector<16xf32>,
      tpu.vector_store %arg6[%swap3A], %broadcast_in_dim3A_3 {strides = array<i32>} : memref<65536xf32, #tpu.memory_space<vmem>>, vector<16xf32>,
      %scan3A_88 = arith.constant 0 : i32
      scf.yield %scan3A_88 : i32
    }
    %scan3A_9 = arith.constant 4096 : i32
    %add3A_10 = arith.constant 0 : i32
    %add3A_11 = arith.addi %mul3A_2, %add3A_10 : i32
    %mul3A_12 = arith.constant 16 : i32
    %mul3A_13 = arith.muli %add3A_11, %mul3A_12 : i32
    %get3A = arith.index_cast %mul3A_13 : i32 to index
    %get3A_14 = tpu.vector_load %arg7[%get3A] {strides = array<i32>} : memref<2048xf32, #tpu.memory_space<vmem>>, vector<16xf32>,
    %broadcast_in_dim3A_15 = arith.constant 0 : i32
    %broadcast_in_dim3A_16 = vector.broadcast %broadcast_in_dim3A_15 : i32 to vector<16xi32>
    %add3A_17 = arith.constant 0 : i32
    %add3A_18 = vector.broadcast %add3A_17 : i32 to vector<16xi32>
    %add3A_19 = arith.addi %broadcast_in_dim3A_16, %add3A_18 : vector<16xi32>
    %scan3A_20 = arith.constant 0 : i32
    %scan3A_21 = arith.constant 0 : i32
    %scan3A_22 = arith.constant 7 : i32
    %scan3A_23 = arith.addi %scan3A_21, %scan3A_22 : i32
    %scan3A_24 = arith.constant 1 : i32
    %scan3A_25 = scf.for %scan3A_83 = %scan3A_21 to %scan3A_23 step %scan3A_24 iter_args(%scan3A_84 = %scan3A_20) -> (i32)  : i32 {
      %mul3A_85 = arith.constant 12800 : i32
      %mul3A_86 = arith.muli %scan3A_83, %mul3A_85 : i32
      "tpu.region"() ({
        %run_scoped3A = tpu.sem_alloc : memref<!tpu.dma_semaphore, #tpu.memory_space<semaphore_mem>>
        %dma_start3A = tpu.memref_slice %arg2[%add3A_11, %mul3A_86] : memref<128x100000xf32, #tpu.memory_space<hbm>> -> memref<1x12800xf32, #tpu.memory_space<hbm>>
        %dma_start3A_95 = tpu.memref_squeeze %dma_start3A : memref<1x12800xf32, #tpu.memory_space<hbm>> -> memref<12800xf32, #tpu.memory_space<hbm>>
        %dma_start3A_96 = tpu.memref_slice %arg2[%add3A_11, %mul3A_86] : memref<128x100000xf32, #tpu.memory_space<hbm>> -> memref<1x12800xf32, #tpu.memory_space<hbm>>
        %dma_start3A_97 = tpu.memref_squeeze %dma_start3A_96 : memref<1x12800xf32, #tpu.memory_space<hbm>> -> memref<12800xf32, #tpu.memory_space<hbm>>
        tpu.enqueue_dma source(%dma_start3A_97 : memref<12800xf32, #tpu.memory_space<hbm>>) target(%arg5 : memref<12800xf32, #tpu.memory_space<vmem>>) target_semaphore(%run_scoped3A : memref<!tpu.dma_semaphore, #tpu.memory_space<semaphore_mem>>)
        %dma_wait3A = tpu.memref_slice %arg2[%add3A_11, %mul3A_86] : memref<128x100000xf32, #tpu.memory_space<hbm>> -> memref<1x12800xf32, #tpu.memory_space<hbm>>
        %dma_wait3A_98 = tpu.memref_squeeze %dma_wait3A : memref<1x12800xf32, #tpu.memory_space<hbm>> -> memref<12800xf32, #tpu.memory_space<hbm>>
        %dma_wait3A_99 = tpu.memref_slice %arg2[%add3A_11, %mul3A_86] : memref<128x100000xf32, #tpu.memory_space<hbm>> -> memref<1x12800xf32, #tpu.memory_space<hbm>>
        %dma_wait3A_100 = tpu.memref_squeeze %dma_wait3A_99 : memref<1x12800xf32, #tpu.memory_space<hbm>> -> memref<12800xf32, #tpu.memory_space<hbm>>
        tpu.wait_dma2 semaphore(%run_scoped3A : memref<!tpu.dma_semaphore, #tpu.memory_space<semaphore_mem>>) src(%dma_wait3A_100 : memref<12800xf32, #tpu.memory_space<hbm>>) dst(%arg5 : memref<12800xf32, #tpu.memory_space<vmem>>)
        tpu.yield
      }) : () -> ()
      %scan3A_87 = arith.constant 0 : i32
      %scan3A_88 = arith.constant 0 : i32
      %scan3A_89 = arith.constant 200 : i32
      %scan3A_90 = arith.addi %scan3A_88, %scan3A_89 : i32
      %scan3A_91 = arith.constant 1 : i32
      %scan3A_92 = scf.for %scan3A_95 = %scan3A_88 to %scan3A_90 step %scan3A_91 iter_args(%scan3A_96 = %scan3A_87) -> (i32)  : i32 {
        %mul3A_97 = arith.constant 64 : i32
        %mul3A_98 = arith.muli %scan3A_95, %mul3A_97 : i32
        %add3A_99 = arith.constant 0 : i32
        %add3A_100 = arith.addi %mul3A_98, %add3A_99 : i32
        %get3A_101 = arith.index_cast %add3A_100 : i32 to index
        %get3A_102 = tpu.vector_load %arg5[%get3A_101] {strides = array<i32>} : memref<12800xf32, #tpu.memory_space<vmem>>, vector<16xf32>,
        %bitcast_convert_type3A = tpu.bitcast %get3A_102 : vector<16xf32> -> vector<16xi32>
        %shift_right_logical3A = arith.constant 31 : i32
        %shift_right_logical3A_103 = vector.broadcast %shift_right_logical3A : i32 to vector<16xi32>
        %shift_right_logical3A_104 = arith.shrui %bitcast_convert_type3A, %shift_right_logical3A_103 : vector<16xi32>
        %eq3A = arith.constant 1 : i32
        %eq3A_105 = vector.broadcast %eq3A : i32 to vector<16xi32>
        %eq3A_106 = arith.cmpi eq, %shift_right_logical3A_104, %eq3A_105 : vector<16xi32>
        %not3A = arith.constant dense<-1> : vector<16xi32>
        %not3A_107 = arith.xori %bitcast_convert_type3A, %not3A : vector<16xi32>
        %or3A = arith.constant -2147483648 : i32
        %or3A_108 = vector.broadcast %or3A : i32 to vector<16xi32>
        %or3A_109 = arith.ori %bitcast_convert_type3A, %or3A_108 : vector<16xi32>
        %select_n3A = arith.select %eq3A_106, %not3A_107, %or3A_109 : vector<16xi1>, vector<16xi32>
        %shift_right_logical3A_110 = arith.constant 18 : i32
        %shift_right_logical3A_111 = vector.broadcast %shift_right_logical3A_110 : i32 to vector<16xi32>
        %shift_right_logical3A_112 = arith.shrui %select_n3A, %shift_right_logical3A_111 : vector<16xi32>
        %sub3A = arith.subf %get3A_102, %get3A_14 : vector<16xf32>
        %exp3A = math.exp %sub3A : vector<16xf32>
        %add3A_113 = arith.addi %add3A_19, %shift_right_logical3A_112 : vector<16xi32>
        tpu.vector_store_idx %arg6[%add3A_113], %exp3A {add = true} : memref<65536xf32, #tpu.memory_space<vmem>>[vector<16xi32>], vector<16xf32>,
        %mul3A_114 = arith.constant 64 : i32
        %mul3A_115 = arith.muli %scan3A_95, %mul3A_114 : i32
        %add3A_116 = arith.constant 16 : i32
        %add3A_117 = arith.addi %mul3A_115, %add3A_116 : i32
        %get3A_118 = arith.index_cast %add3A_117 : i32 to index
        %get3A_119 = tpu.vector_load %arg5[%get3A_118] {strides = array<i32>} : memref<12800xf32, #tpu.memory_space<vmem>>, vector<16xf32>,
        %bitcast_convert_type3A_120 = tpu.bitcast %get3A_119 : vector<16xf32> -> vector<16xi32>
        %shift_right_logical3A_121 = arith.constant 31 : i32
        %shift_right_logical3A_122 = vector.broadcast %shift_right_logical3A_121 : i32 to vector<16xi32>
        %shift_right_logical3A_123 = arith.shrui %bitcast_convert_type3A_120, %shift_right_logical3A_122 : vector<16xi32>
        %eq3A_124 = arith.constant 1 : i32
        %eq3A_125 = vector.broadcast %eq3A_124 : i32 to vector<16xi32>
        %eq3A_126 = arith.cmpi eq, %shift_right_logical3A_123, %eq3A_125 : vector<16xi32>
        %not3A_127 = arith.constant dense<-1> : vector<16xi32>
        %not3A_128 = arith.xori %bitcast_convert_type3A_120, %not3A_127 : vector<16xi32>
        %or3A_129 = arith.constant -2147483648 : i32
        %or3A_130 = vector.broadcast %or3A_129 : i32 to vector<16xi32>
        %or3A_131 = arith.ori %bitcast_convert_type3A_120, %or3A_130 : vector<16xi32>
        %select_n3A_132 = arith.select %eq3A_126, %not3A_128, %or3A_131 : vector<16xi1>, vector<16xi32>
        %shift_right_logical3A_133 = arith.constant 18 : i32
        %shift_right_logical3A_134 = vector.broadcast %shift_right_logical3A_133 : i32 to vector<16xi32>
        %shift_right_logical3A_135 = arith.shrui %select_n3A_132, %shift_right_logical3A_134 : vector<16xi32>
        %sub3A_136 = arith.subf %get3A_119, %get3A_14 : vector<16xf32>
        %exp3A_137 = math.exp %sub3A_136 : vector<16xf32>
        %add3A_138 = arith.addi %add3A_19, %shift_right_logical3A_135 : vector<16xi32>
        tpu.vector_store_idx %arg6[%add3A_138], %exp3A_137 {add = true} : memref<65536xf32, #tpu.memory_space<vmem>>[vector<16xi32>], vector<16xf32>,
        %mul3A_139 = arith.constant 64 : i32
        %mul3A_140 = arith.muli %scan3A_95, %mul3A_139 : i32
        %add3A_141 = arith.constant 32 : i32
        %add3A_142 = arith.addi %mul3A_140, %add3A_141 : i32
        %get3A_143 = arith.index_cast %add3A_142 : i32 to index
        %get3A_144 = tpu.vector_load %arg5[%get3A_143] {strides = array<i32>} : memref<12800xf32, #tpu.memory_space<vmem>>, vector<16xf32>,
        %bitcast_convert_type3A_145 = tpu.bitcast %get3A_144 : vector<16xf32> -> vector<16xi32>
        %shift_right_logical3A_146 = arith.constant 31 : i32
        %shift_right_logical3A_147 = vector.broadcast %shift_right_logical3A_146 : i32 to vector<16xi32>
        %shift_right_logical3A_148 = arith.shrui %bitcast_convert_type3A_145, %shift_right_logical3A_147 : vector<16xi32>
        %eq3A_149 = arith.constant 1 : i32
        %eq3A_150 = vector.broadcast %eq3A_149 : i32 to vector<16xi32>
        %eq3A_151 = arith.cmpi eq, %shift_right_logical3A_148, %eq3A_150 : vector<16xi32>
        %not3A_152 = arith.constant dense<-1> : vector<16xi32>
        %not3A_153 = arith.xori %bitcast_convert_type3A_145, %not3A_152 : vector<16xi32>
        %or3A_154 = arith.constant -2147483648 : i32
        %or3A_155 = vector.broadcast %or3A_154 : i32 to vector<16xi32>
        %or3A_156 = arith.ori %bitcast_convert_type3A_145, %or3A_155 : vector<16xi32>
        %select_n3A_157 = arith.select %eq3A_151, %not3A_153, %or3A_156 : vector<16xi1>, vector<16xi32>
        %shift_right_logical3A_158 = arith.constant 18 : i32
        %shift_right_logical3A_159 = vector.broadcast %shift_right_logical3A_158 : i32 to vector<16xi32>
        %shift_right_logical3A_160 = arith.shrui %select_n3A_157, %shift_right_logical3A_159 : vector<16xi32>
        %sub3A_161 = arith.subf %get3A_144, %get3A_14 : vector<16xf32>
        %exp3A_162 = math.exp %sub3A_161 : vector<16xf32>
        %add3A_163 = arith.addi %add3A_19, %shift_right_logical3A_160 : vector<16xi32>
        tpu.vector_store_idx %arg6[%add3A_163], %exp3A_162 {add = true} : memref<65536xf32, #tpu.memory_space<vmem>>[vector<16xi32>], vector<16xf32>,
        %mul3A_164 = arith.constant 64 : i32
        %mul3A_165 = arith.muli %scan3A_95, %mul3A_164 : i32
        %add3A_166 = arith.constant 48 : i32
        %add3A_167 = arith.addi %mul3A_165, %add3A_166 : i32
        %get3A_168 = arith.index_cast %add3A_167 : i32 to index
        %get3A_169 = tpu.vector_load %arg5[%get3A_168] {strides = array<i32>} : memref<12800xf32, #tpu.memory_space<vmem>>, vector<16xf32>,
        %bitcast_convert_type3A_170 = tpu.bitcast %get3A_169 : vector<16xf32> -> vector<16xi32>
        %shift_right_logical3A_171 = arith.constant 31 : i32
        %shift_right_logical3A_172 = vector.broadcast %shift_right_logical3A_171 : i32 to vector<16xi32>
        %shift_right_logical3A_173 = arith.shrui %bitcast_convert_type3A_170, %shift_right_logical3A_172 : vector<16xi32>
        %eq3A_174 = arith.constant 1 : i32
        %eq3A_175 = vector.broadcast %eq3A_174 : i32 to vector<16xi32>
        %eq3A_176 = arith.cmpi eq, %shift_right_logical3A_173, %eq3A_175 : vector<16xi32>
        %not3A_177 = arith.constant dense<-1> : vector<16xi32>
        %not3A_178 = arith.xori %bitcast_convert_type3A_170, %not3A_177 : vector<16xi32>
        %or3A_179 = arith.constant -2147483648 : i32
        %or3A_180 = vector.broadcast %or3A_179 : i32 to vector<16xi32>
        %or3A_181 = arith.ori %bitcast_convert_type3A_170, %or3A_180 : vector<16xi32>
        %select_n3A_182 = arith.select %eq3A_176, %not3A_178, %or3A_181 : vector<16xi1>, vector<16xi32>
        %shift_right_logical3A_183 = arith.constant 18 : i32
        %shift_right_logical3A_184 = vector.broadcast %shift_right_logical3A_183 : i32 to vector<16xi32>
        %shift_right_logical3A_185 = arith.shrui %select_n3A_182, %shift_right_logical3A_184 : vector<16xi32>
        %sub3A_186 = arith.subf %get3A_169, %get3A_14 : vector<16xf32>
        %exp3A_187 = math.exp %sub3A_186 : vector<16xf32>
        %add3A_188 = arith.addi %add3A_19, %shift_right_logical3A_185 : vector<16xi32>
        tpu.vector_store_idx %arg6[%add3A_188], %exp3A_187 {add = true} : memref<65536xf32, #tpu.memory_space<vmem>>[vector<16xi32>], vector<16xf32>,
        %scan3A_189 = arith.constant 0 : i32
        scf.yield %scan3A_189 : i32
      }
      %scan3A_93 = arith.constant 200 : i32
      %scan3A_94 = arith.constant 0 : i32
      scf.yield %scan3A_94 : i32
    }
    %scan3A_26 = arith.constant 7 : i32
    %add3A_27 = arith.constant 1 : i32
    %add3A_28 = arith.addi %mul3A_2, %add3A_27 : i32
    %mul3A_29 = arith.constant 16 : i32
    %mul3A_30 = arith.muli %add3A_28, %mul3A_29 : i32
    %get3A_31 = arith.index_cast %mul3A_30 : i32 to index
    %get3A_32 = tpu.vector_load %arg7[%get3A_31] {strides = array<i32>} : memref<2048xf32, #tpu.memory_space<vmem>>, vector<16xf32>,
    %broadcast_in_dim3A_33 = arith.constant 0 : i32
    %broadcast_in_dim3A_34 = vector.broadcast %broadcast_in_dim3A_33 : i32 to vector<16xi32>
    %add3A_35 = arith.constant 16384 : i32
    %add3A_36 = vector.broadcast %add3A_35 : i32 to vector<16xi32>
    %add3A_37 = arith.addi %broadcast_in_dim3A_34, %add3A_36 : vector<16xi32>
    %scan3A_38 = arith.constant 0 : i32
    %scan3A_39 = arith.constant 0 : i32
    %scan3A_40 = arith.constant 7 : i32
    %scan3A_41 = arith.addi %scan3A_39, %scan3A_40 : i32
    %scan3A_42 = arith.constant 1 : i32
    %scan3A_43 = scf.for %scan3A_83 = %scan3A_39 to %scan3A_41 step %scan3A_42 iter_args(%scan3A_84 = %scan3A_38) -> (i32)  : i32 {
      %mul3A_85 = arith.constant 12800 : i32
      %mul3A_86 = arith.muli %scan3A_83, %mul3A_85 : i32
      "tpu.region"() ({
        %run_scoped3A = tpu.sem_alloc : memref<!tpu.dma_semaphore, #tpu.memory_space<semaphore_mem>>
        %dma_start3A = tpu.memref_slice %arg2[%add3A_28, %mul3A_86] : memref<128x100000xf32, #tpu.memory_space<hbm>> -> memref<1x12800xf32, #tpu.memory_space<hbm>>
        %dma_start3A_95 = tpu.memref_squeeze %dma_start3A : memref<1x12800xf32, #tpu.memory_space<hbm>> -> memref<12800xf32, #tpu.memory_space<hbm>>
        %dma_start3A_96 = tpu.memref_slice %arg2[%add3A_28, %mul3A_86] : memref<128x100000xf32, #tpu.memory_space<hbm>> -> memref<1x12800xf32, #tpu.memory_space<hbm>>
        %dma_start3A_97 = tpu.memref_squeeze %dma_start3A_96 : memref<1x12800xf32, #tpu.memory_space<hbm>> -> memref<12800xf32, #tpu.memory_space<hbm>>
        tpu.enqueue_dma source(%dma_start3A_97 : memref<12800xf32, #tpu.memory_space<hbm>>) target(%arg5 : memref<12800xf32, #tpu.memory_space<vmem>>) target_semaphore(%run_scoped3A : memref<!tpu.dma_semaphore, #tpu.memory_space<semaphore_mem>>)
        %dma_wait3A = tpu.memref_slice %arg2[%add3A_28, %mul3A_86] : memref<128x100000xf32, #tpu.memory_space<hbm>> -> memref<1x12800xf32, #tpu.memory_space<hbm>>
        %dma_wait3A_98 = tpu.memref_squeeze %dma_wait3A : memref<1x12800xf32, #tpu.memory_space<hbm>> -> memref<12800xf32, #tpu.memory_space<hbm>>
        %dma_wait3A_99 = tpu.memref_slice %arg2[%add3A_28, %mul3A_86] : memref<128x100000xf32, #tpu.memory_space<hbm>> -> memref<1x12800xf32, #tpu.memory_space<hbm>>
        %dma_wait3A_100 = tpu.memref_squeeze %dma_wait3A_99 : memref<1x12800xf32, #tpu.memory_space<hbm>> -> memref<12800xf32, #tpu.memory_space<hbm>>
        tpu.wait_dma2 semaphore(%run_scoped3A : memref<!tpu.dma_semaphore, #tpu.memory_space<semaphore_mem>>) src(%dma_wait3A_100 : memref<12800xf32, #tpu.memory_space<hbm>>) dst(%arg5 : memref<12800xf32, #tpu.memory_space<vmem>>)
        tpu.yield
      }) : () -> ()
      %scan3A_87 = arith.constant 0 : i32
      %scan3A_88 = arith.constant 0 : i32
      %scan3A_89 = arith.constant 200 : i32
      %scan3A_90 = arith.addi %scan3A_88, %scan3A_89 : i32
      %scan3A_91 = arith.constant 1 : i32
      %scan3A_92 = scf.for %scan3A_95 = %scan3A_88 to %scan3A_90 step %scan3A_91 iter_args(%scan3A_96 = %scan3A_87) -> (i32)  : i32 {
        %mul3A_97 = arith.constant 64 : i32
        %mul3A_98 = arith.muli %scan3A_95, %mul3A_97 : i32
        %add3A_99 = arith.constant 0 : i32
        %add3A_100 = arith.addi %mul3A_98, %add3A_99 : i32
        %get3A_101 = arith.index_cast %add3A_100 : i32 to index
        %get3A_102 = tpu.vector_load %arg5[%get3A_101] {strides = array<i32>} : memref<12800xf32, #tpu.memory_space<vmem>>, vector<16xf32>,
        %bitcast_convert_type3A = tpu.bitcast %get3A_102 : vector<16xf32> -> vector<16xi32>
        %shift_right_logical3A = arith.constant 31 : i32
        %shift_right_logical3A_103 = vector.broadcast %shift_right_logical3A : i32 to vector<16xi32>
        %shift_right_logical3A_104 = arith.shrui %bitcast_convert_type3A, %shift_right_logical3A_103 : vector<16xi32>
        %eq3A = arith.constant 1 : i32
        %eq3A_105 = vector.broadcast %eq3A : i32 to vector<16xi32>
        %eq3A_106 = arith.cmpi eq, %shift_right_logical3A_104, %eq3A_105 : vector<16xi32>
        %not3A = arith.constant dense<-1> : vector<16xi32>
        %not3A_107 = arith.xori %bitcast_convert_type3A, %not3A : vector<16xi32>
        %or3A = arith.constant -2147483648 : i32
        %or3A_108 = vector.broadcast %or3A : i32 to vector<16xi32>
        %or3A_109 = arith.ori %bitcast_convert_type3A, %or3A_108 : vector<16xi32>
        %select_n3A = arith.select %eq3A_106, %not3A_107, %or3A_109 : vector<16xi1>, vector<16xi32>
        %shift_right_logical3A_110 = arith.constant 18 : i32
        %shift_right_logical3A_111 = vector.broadcast %shift_right_logical3A_110 : i32 to vector<16xi32>
        %shift_right_logical3A_112 = arith.shrui %select_n3A, %shift_right_logical3A_111 : vector<16xi32>
        %sub3A = arith.subf %get3A_102, %get3A_32 : vector<16xf32>
        %exp3A = math.exp %sub3A : vector<16xf32>
        %add3A_113 = arith.addi %add3A_37, %shift_right_logical3A_112 : vector<16xi32>
        tpu.vector_store_idx %arg6[%add3A_113], %exp3A {add = true} : memref<65536xf32, #tpu.memory_space<vmem>>[vector<16xi32>], vector<16xf32>,
        %mul3A_114 = arith.constant 64 : i32
        %mul3A_115 = arith.muli %scan3A_95, %mul3A_114 : i32
        %add3A_116 = arith.constant 16 : i32
        %add3A_117 = arith.addi %mul3A_115, %add3A_116 : i32
        %get3A_118 = arith.index_cast %add3A_117 : i32 to index
        %get3A_119 = tpu.vector_load %arg5[%get3A_118] {strides = array<i32>} : memref<12800xf32, #tpu.memory_space<vmem>>, vector<16xf32>,
        %bitcast_convert_type3A_120 = tpu.bitcast %get3A_119 : vector<16xf32> -> vector<16xi32>
        %shift_right_logical3A_121 = arith.constant 31 : i32
        %shift_right_logical3A_122 = vector.broadcast %shift_right_logical3A_121 : i32 to vector<16xi32>
        %shift_right_logical3A_123 = arith.shrui %bitcast_convert_type3A_120, %shift_right_logical3A_122 : vector<16xi32>
        %eq3A_124 = arith.constant 1 : i32
        %eq3A_125 = vector.broadcast %eq3A_124 : i32 to vector<16xi32>
        %eq3A_126 = arith.cmpi eq, %shift_right_logical3A_123, %eq3A_125 : vector<16xi32>
        %not3A_127 = arith.constant dense<-1> : vector<16xi32>
        %not3A_128 = arith.xori %bitcast_convert_type3A_120, %not3A_127 : vector<16xi32>
        %or3A_129 = arith.constant -2147483648 : i32
        %or3A_130 = vector.broadcast %or3A_129 : i32 to vector<16xi32>
        %or3A_131 = arith.ori %bitcast_convert_type3A_120, %or3A_130 : vector<16xi32>
        %select_n3A_132 = arith.select %eq3A_126, %not3A_128, %or3A_131 : vector<16xi1>, vector<16xi32>
        %shift_right_logical3A_133 = arith.constant 18 : i32
        %shift_right_logical3A_134 = vector.broadcast %shift_right_logical3A_133 : i32 to vector<16xi32>
        %shift_right_logical3A_135 = arith.shrui %select_n3A_132, %shift_right_logical3A_134 : vector<16xi32>
        %sub3A_136 = arith.subf %get3A_119, %get3A_32 : vector<16xf32>
        %exp3A_137 = math.exp %sub3A_136 : vector<16xf32>
        %add3A_138 = arith.addi %add3A_37, %shift_right_logical3A_135 : vector<16xi32>
        tpu.vector_store_idx %arg6[%add3A_138], %exp3A_137 {add = true} : memref<65536xf32, #tpu.memory_space<vmem>>[vector<16xi32>], vector<16xf32>,
        %mul3A_139 = arith.constant 64 : i32
        %mul3A_140 = arith.muli %scan3A_95, %mul3A_139 : i32
        %add3A_141 = arith.constant 32 : i32
        %add3A_142 = arith.addi %mul3A_140, %add3A_141 : i32
        %get3A_143 = arith.index_cast %add3A_142 : i32 to index
        %get3A_144 = tpu.vector_load %arg5[%get3A_143] {strides = array<i32>} : memref<12800xf32, #tpu.memory_space<vmem>>, vector<16xf32>,
        %bitcast_convert_type3A_145 = tpu.bitcast %get3A_144 : vector<16xf32> -> vector<16xi32>
        %shift_right_logical3A_146 = arith.constant 31 : i32
        %shift_right_logical3A_147 = vector.broadcast %shift_right_logical3A_146 : i32 to vector<16xi32>
        %shift_right_logical3A_148 = arith.shrui %bitcast_convert_type3A_145, %shift_right_logical3A_147 : vector<16xi32>
        %eq3A_149 = arith.constant 1 : i32
        %eq3A_150 = vector.broadcast %eq3A_149 : i32 to vector<16xi32>
        %eq3A_151 = arith.cmpi eq, %shift_right_logical3A_148, %eq3A_150 : vector<16xi32>
        %not3A_152 = arith.constant dense<-1> : vector<16xi32>
        %not3A_153 = arith.xori %bitcast_convert_type3A_145, %not3A_152 : vector<16xi32>
        %or3A_154 = arith.constant -2147483648 : i32
        %or3A_155 = vector.broadcast %or3A_154 : i32 to vector<16xi32>
        %or3A_156 = arith.ori %bitcast_convert_type3A_145, %or3A_155 : vector<16xi32>
        %select_n3A_157 = arith.select %eq3A_151, %not3A_153, %or3A_156 : vector<16xi1>, vector<16xi32>
        %shift_right_logical3A_158 = arith.constant 18 : i32
        %shift_right_logical3A_159 = vector.broadcast %shift_right_logical3A_158 : i32 to vector<16xi32>
        %shift_right_logical3A_160 = arith.shrui %select_n3A_157, %shift_right_logical3A_159 : vector<16xi32>
        %sub3A_161 = arith.subf %get3A_144, %get3A_32 : vector<16xf32>
        %exp3A_162 = math.exp %sub3A_161 : vector<16xf32>
        %add3A_163 = arith.addi %add3A_37, %shift_right_logical3A_160 : vector<16xi32>
        tpu.vector_store_idx %arg6[%add3A_163], %exp3A_162 {add = true} : memref<65536xf32, #tpu.memory_space<vmem>>[vector<16xi32>], vector<16xf32>,
        %mul3A_164 = arith.constant 64 : i32
        %mul3A_165 = arith.muli %scan3A_95, %mul3A_164 : i32
        %add3A_166 = arith.constant 48 : i32
        %add3A_167 = arith.addi %mul3A_165, %add3A_166 : i32
        %get3A_168 = arith.index_cast %add3A_167 : i32 to index
        %get3A_169 = tpu.vector_load %arg5[%get3A_168] {strides = array<i32>} : memref<12800xf32, #tpu.memory_space<vmem>>, vector<16xf32>,
        %bitcast_convert_type3A_170 = tpu.bitcast %get3A_169 : vector<16xf32> -> vector<16xi32>
        %shift_right_logical3A_171 = arith.constant 31 : i32
        %shift_right_logical3A_172 = vector.broadcast %shift_right_logical3A_171 : i32 to vector<16xi32>
        %shift_right_logical3A_173 = arith.shrui %bitcast_convert_type3A_170, %shift_right_logical3A_172 : vector<16xi32>
        %eq3A_174 = arith.constant 1 : i32
        %eq3A_175 = vector.broadcast %eq3A_174 : i32 to vector<16xi32>
        %eq3A_176 = arith.cmpi eq, %shift_right_logical3A_173, %eq3A_175 : vector<16xi32>
        %not3A_177 = arith.constant dense<-1> : vector<16xi32>
        %not3A_178 = arith.xori %bitcast_convert_type3A_170, %not3A_177 : vector<16xi32>
        %or3A_179 = arith.constant -2147483648 : i32
        %or3A_180 = vector.broadcast %or3A_179 : i32 to vector<16xi32>
        %or3A_181 = arith.ori %bitcast_convert_type3A_170, %or3A_180 : vector<16xi32>
        %select_n3A_182 = arith.select %eq3A_176, %not3A_178, %or3A_181 : vector<16xi1>, vector<16xi32>
        %shift_right_logical3A_183 = arith.constant 18 : i32
        %shift_right_logical3A_184 = vector.broadcast %shift_right_logical3A_183 : i32 to vector<16xi32>
        %shift_right_logical3A_185 = arith.shrui %select_n3A_182, %shift_right_logical3A_184 : vector<16xi32>
        %sub3A_186 = arith.subf %get3A_169, %get3A_32 : vector<16xf32>
        %exp3A_187 = math.exp %sub3A_186 : vector<16xf32>
        %add3A_188 = arith.addi %add3A_37, %shift_right_logical3A_185 : vector<16xi32>
        tpu.vector_store_idx %arg6[%add3A_188], %exp3A_187 {add = true} : memref<65536xf32, #tpu.memory_space<vmem>>[vector<16xi32>], vector<16xf32>,
        %scan3A_189 = arith.constant 0 : i32
        scf.yield %scan3A_189 : i32
      }
      %scan3A_93 = arith.constant 200 : i32
      %scan3A_94 = arith.constant 0 : i32
      scf.yield %scan3A_94 : i32
    }
    %scan3A_44 = arith.constant 7 : i32
    %add3A_45 = arith.constant 2 : i32
    %add3A_46 = arith.addi %mul3A_2, %add3A_45 : i32
    %mul3A_47 = arith.constant 16 : i32
    %mul3A_48 = arith.muli %add3A_46, %mul3A_47 : i32
    %get3A_49 = arith.index_cast %mul3A_48 : i32 to index
    %get3A_50 = tpu.vector_load %arg7[%get3A_49] {strides = array<i32>} : memref<2048xf32, #tpu.memory_space<vmem>>, vector<16xf32>,
    %broadcast_in_dim3A_51 = arith.constant 0 : i32
    %broadcast_in_dim3A_52 = vector.broadcast %broadcast_in_dim3A_51 : i32 to vector<16xi32>
    %add3A_53 = arith.constant 32768 : i32
    %add3A_54 = vector.broadcast %add3A_53 : i32 to vector<16xi32>
    %add3A_55 = arith.addi %broadcast_in_dim3A_52, %add3A_54 : vector<16xi32>
    %scan3A_56 = arith.constant 0 : i32
    %scan3A_57 = arith.constant 0 : i32
    %scan3A_58 = arith.constant 7 : i32
    %scan3A_59 = arith.addi %scan3A_57, %scan3A_58 : i32
    %scan3A_60 = arith.constant 1 : i32
    %scan3A_61 = scf.for %scan3A_83 = %scan3A_57 to %scan3A_59 step %scan3A_60 iter_args(%scan3A_84 = %scan3A_56) -> (i32)  : i32 {
      %mul3A_85 = arith.constant 12800 : i32
      %mul3A_86 = arith.muli %scan3A_83, %mul3A_85 : i32
      "tpu.region"() ({
        %run_scoped3A = tpu.sem_alloc : memref<!tpu.dma_semaphore, #tpu.memory_space<semaphore_mem>>
        %dma_start3A = tpu.memref_slice %arg2[%add3A_46, %mul3A_86] : memref<128x100000xf32, #tpu.memory_space<hbm>> -> memref<1x12800xf32, #tpu.memory_space<hbm>>
        %dma_start3A_95 = tpu.memref_squeeze %dma_start3A : memref<1x12800xf32, #tpu.memory_space<hbm>> -> memref<12800xf32, #tpu.memory_space<hbm>>
        %dma_start3A_96 = tpu.memref_slice %arg2[%add3A_46, %mul3A_86] : memref<128x100000xf32, #tpu.memory_space<hbm>> -> memref<1x12800xf32, #tpu.memory_space<hbm>>
        %dma_start3A_97 = tpu.memref_squeeze %dma_start3A_96 : memref<1x12800xf32, #tpu.memory_space<hbm>> -> memref<12800xf32, #tpu.memory_space<hbm>>
        tpu.enqueue_dma source(%dma_start3A_97 : memref<12800xf32, #tpu.memory_space<hbm>>) target(%arg5 : memref<12800xf32, #tpu.memory_space<vmem>>) target_semaphore(%run_scoped3A : memref<!tpu.dma_semaphore, #tpu.memory_space<semaphore_mem>>)
        %dma_wait3A = tpu.memref_slice %arg2[%add3A_46, %mul3A_86] : memref<128x100000xf32, #tpu.memory_space<hbm>> -> memref<1x12800xf32, #tpu.memory_space<hbm>>
        %dma_wait3A_98 = tpu.memref_squeeze %dma_wait3A : memref<1x12800xf32, #tpu.memory_space<hbm>> -> memref<12800xf32, #tpu.memory_space<hbm>>
        %dma_wait3A_99 = tpu.memref_slice %arg2[%add3A_46, %mul3A_86] : memref<128x100000xf32, #tpu.memory_space<hbm>> -> memref<1x12800xf32, #tpu.memory_space<hbm>>
        %dma_wait3A_100 = tpu.memref_squeeze %dma_wait3A_99 : memref<1x12800xf32, #tpu.memory_space<hbm>> -> memref<12800xf32, #tpu.memory_space<hbm>>
        tpu.wait_dma2 semaphore(%run_scoped3A : memref<!tpu.dma_semaphore, #tpu.memory_space<semaphore_mem>>) src(%dma_wait3A_100 : memref<12800xf32, #tpu.memory_space<hbm>>) dst(%arg5 : memref<12800xf32, #tpu.memory_space<vmem>>)
        tpu.yield
      }) : () -> ()
      %scan3A_87 = arith.constant 0 : i32
      %scan3A_88 = arith.constant 0 : i32
      %scan3A_89 = arith.constant 200 : i32
      %scan3A_90 = arith.addi %scan3A_88, %scan3A_89 : i32
      %scan3A_91 = arith.constant 1 : i32
      %scan3A_92 = scf.for %scan3A_95 = %scan3A_88 to %scan3A_90 step %scan3A_91 iter_args(%scan3A_96 = %scan3A_87) -> (i32)  : i32 {
        %mul3A_97 = arith.constant 64 : i32
        %mul3A_98 = arith.muli %scan3A_95, %mul3A_97 : i32
        %add3A_99 = arith.constant 0 : i32
        %add3A_100 = arith.addi %mul3A_98, %add3A_99 : i32
        %get3A_101 = arith.index_cast %add3A_100 : i32 to index
        %get3A_102 = tpu.vector_load %arg5[%get3A_101] {strides = array<i32>} : memref<12800xf32, #tpu.memory_space<vmem>>, vector<16xf32>,
        %bitcast_convert_type3A = tpu.bitcast %get3A_102 : vector<16xf32> -> vector<16xi32>
        %shift_right_logical3A = arith.constant 31 : i32
        %shift_right_logical3A_103 = vector.broadcast %shift_right_logical3A : i32 to vector<16xi32>
        %shift_right_logical3A_104 = arith.shrui %bitcast_convert_type3A, %shift_right_logical3A_103 : vector<16xi32>
        %eq3A = arith.constant 1 : i32
        %eq3A_105 = vector.broadcast %eq3A : i32 to vector<16xi32>
        %eq3A_106 = arith.cmpi eq, %shift_right_logical3A_104, %eq3A_105 : vector<16xi32>
        %not3A = arith.constant dense<-1> : vector<16xi32>
        %not3A_107 = arith.xori %bitcast_convert_type3A, %not3A : vector<16xi32>
        %or3A = arith.constant -2147483648 : i32
        %or3A_108 = vector.broadcast %or3A : i32 to vector<16xi32>
        %or3A_109 = arith.ori %bitcast_convert_type3A, %or3A_108 : vector<16xi32>
        %select_n3A = arith.select %eq3A_106, %not3A_107, %or3A_109 : vector<16xi1>, vector<16xi32>
        %shift_right_logical3A_110 = arith.constant 18 : i32
        %shift_right_logical3A_111 = vector.broadcast %shift_right_logical3A_110 : i32 to vector<16xi32>
        %shift_right_logical3A_112 = arith.shrui %select_n3A, %shift_right_logical3A_111 : vector<16xi32>
        %sub3A = arith.subf %get3A_102, %get3A_50 : vector<16xf32>
        %exp3A = math.exp %sub3A : vector<16xf32>
        %add3A_113 = arith.addi %add3A_55, %shift_right_logical3A_112 : vector<16xi32>
        tpu.vector_store_idx %arg6[%add3A_113], %exp3A {add = true} : memref<65536xf32, #tpu.memory_space<vmem>>[vector<16xi32>], vector<16xf32>,
        %mul3A_114 = arith.constant 64 : i32
        %mul3A_115 = arith.muli %scan3A_95, %mul3A_114 : i32
        %add3A_116 = arith.constant 16 : i32
        %add3A_117 = arith.addi %mul3A_115, %add3A_116 : i32
        %get3A_118 = arith.index_cast %add3A_117 : i32 to index
        %get3A_119 = tpu.vector_load %arg5[%get3A_118] {strides = array<i32>} : memref<12800xf32, #tpu.memory_space<vmem>>, vector<16xf32>,
        %bitcast_convert_type3A_120 = tpu.bitcast %get3A_119 : vector<16xf32> -> vector<16xi32>
        %shift_right_logical3A_121 = arith.constant 31 : i32
        %shift_right_logical3A_122 = vector.broadcast %shift_right_logical3A_121 : i32 to vector<16xi32>
        %shift_right_logical3A_123 = arith.shrui %bitcast_convert_type3A_120, %shift_right_logical3A_122 : vector<16xi32>
        %eq3A_124 = arith.constant 1 : i32
        %eq3A_125 = vector.broadcast %eq3A_124 : i32 to vector<16xi32>
        %eq3A_126 = arith.cmpi eq, %shift_right_logical3A_123, %eq3A_125 : vector<16xi32>
        %not3A_127 = arith.constant dense<-1> : vector<16xi32>
        %not3A_128 = arith.xori %bitcast_convert_type3A_120, %not3A_127 : vector<16xi32>
        %or3A_129 = arith.constant -2147483648 : i32
        %or3A_130 = vector.broadcast %or3A_129 : i32 to vector<16xi32>
        %or3A_131 = arith.ori %bitcast_convert_type3A_120, %or3A_130 : vector<16xi32>
        %select_n3A_132 = arith.select %eq3A_126, %not3A_128, %or3A_131 : vector<16xi1>, vector<16xi32>
        %shift_right_logical3A_133 = arith.constant 18 : i32
        %shift_right_logical3A_134 = vector.broadcast %shift_right_logical3A_133 : i32 to vector<16xi32>
        %shift_right_logical3A_135 = arith.shrui %select_n3A_132, %shift_right_logical3A_134 : vector<16xi32>
        %sub3A_136 = arith.subf %get3A_119, %get3A_50 : vector<16xf32>
        %exp3A_137 = math.exp %sub3A_136 : vector<16xf32>
        %add3A_138 = arith.addi %add3A_55, %shift_right_logical3A_135 : vector<16xi32>
        tpu.vector_store_idx %arg6[%add3A_138], %exp3A_137 {add = true} : memref<65536xf32, #tpu.memory_space<vmem>>[vector<16xi32>], vector<16xf32>,
        %mul3A_139 = arith.constant 64 : i32
        %mul3A_140 = arith.muli %scan3A_95, %mul3A_139 : i32
        %add3A_141 = arith.constant 32 : i32
        %add3A_142 = arith.addi %mul3A_140, %add3A_141 : i32
        %get3A_143 = arith.index_cast %add3A_142 : i32 to index
        %get3A_144 = tpu.vector_load %arg5[%get3A_143] {strides = array<i32>} : memref<12800xf32, #tpu.memory_space<vmem>>, vector<16xf32>,
        %bitcast_convert_type3A_145 = tpu.bitcast %get3A_144 : vector<16xf32> -> vector<16xi32>
        %shift_right_logical3A_146 = arith.constant 31 : i32
        %shift_right_logical3A_147 = vector.broadcast %shift_right_logical3A_146 : i32 to vector<16xi32>
        %shift_right_logical3A_148 = arith.shrui %bitcast_convert_type3A_145, %shift_right_logical3A_147 : vector<16xi32>
        %eq3A_149 = arith.constant 1 : i32
        %eq3A_150 = vector.broadcast %eq3A_149 : i32 to vector<16xi32>
        %eq3A_151 = arith.cmpi eq, %shift_right_logical3A_148, %eq3A_150 : vector<16xi32>
        %not3A_152 = arith.constant dense<-1> : vector<16xi32>
        %not3A_153 = arith.xori %bitcast_convert_type3A_145, %not3A_152 : vector<16xi32>
        %or3A_154 = arith.constant -2147483648 : i32
        %or3A_155 = vector.broadcast %or3A_154 : i32 to vector<16xi32>
        %or3A_156 = arith.ori %bitcast_convert_type3A_145, %or3A_155 : vector<16xi32>
        %select_n3A_157 = arith.select %eq3A_151, %not3A_153, %or3A_156 : vector<16xi1>, vector<16xi32>
        %shift_right_logical3A_158 = arith.constant 18 : i32
        %shift_right_logical3A_159 = vector.broadcast %shift_right_logical3A_158 : i32 to vector<16xi32>
        %shift_right_logical3A_160 = arith.shrui %select_n3A_157, %shift_right_logical3A_159 : vector<16xi32>
        %sub3A_161 = arith.subf %get3A_144, %get3A_50 : vector<16xf32>
        %exp3A_162 = math.exp %sub3A_161 : vector<16xf32>
        %add3A_163 = arith.addi %add3A_55, %shift_right_logical3A_160 : vector<16xi32>
        tpu.vector_store_idx %arg6[%add3A_163], %exp3A_162 {add = true} : memref<65536xf32, #tpu.memory_space<vmem>>[vector<16xi32>], vector<16xf32>,
        %mul3A_164 = arith.constant 64 : i32
        %mul3A_165 = arith.muli %scan3A_95, %mul3A_164 : i32
        %add3A_166 = arith.constant 48 : i32
        %add3A_167 = arith.addi %mul3A_165, %add3A_166 : i32
        %get3A_168 = arith.index_cast %add3A_167 : i32 to index
        %get3A_169 = tpu.vector_load %arg5[%get3A_168] {strides = array<i32>} : memref<12800xf32, #tpu.memory_space<vmem>>, vector<16xf32>,
        %bitcast_convert_type3A_170 = tpu.bitcast %get3A_169 : vector<16xf32> -> vector<16xi32>
        %shift_right_logical3A_171 = arith.constant 31 : i32
        %shift_right_logical3A_172 = vector.broadcast %shift_right_logical3A_171 : i32 to vector<16xi32>
        %shift_right_logical3A_173 = arith.shrui %bitcast_convert_type3A_170, %shift_right_logical3A_172 : vector<16xi32>
        %eq3A_174 = arith.constant 1 : i32
        %eq3A_175 = vector.broadcast %eq3A_174 : i32 to vector<16xi32>
        %eq3A_176 = arith.cmpi eq, %shift_right_logical3A_173, %eq3A_175 : vector<16xi32>
        %not3A_177 = arith.constant dense<-1> : vector<16xi32>
        %not3A_178 = arith.xori %bitcast_convert_type3A_170, %not3A_177 : vector<16xi32>
        %or3A_179 = arith.constant -2147483648 : i32
        %or3A_180 = vector.broadcast %or3A_179 : i32 to vector<16xi32>
        %or3A_181 = arith.ori %bitcast_convert_type3A_170, %or3A_180 : vector<16xi32>
        %select_n3A_182 = arith.select %eq3A_176, %not3A_178, %or3A_181 : vector<16xi1>, vector<16xi32>
        %shift_right_logical3A_183 = arith.constant 18 : i32
        %shift_right_logical3A_184 = vector.broadcast %shift_right_logical3A_183 : i32 to vector<16xi32>
        %shift_right_logical3A_185 = arith.shrui %select_n3A_182, %shift_right_logical3A_184 : vector<16xi32>
        %sub3A_186 = arith.subf %get3A_169, %get3A_50 : vector<16xf32>
        %exp3A_187 = math.exp %sub3A_186 : vector<16xf32>
        %add3A_188 = arith.addi %add3A_55, %shift_right_logical3A_185 : vector<16xi32>
        tpu.vector_store_idx %arg6[%add3A_188], %exp3A_187 {add = true} : memref<65536xf32, #tpu.memory_space<vmem>>[vector<16xi32>], vector<16xf32>,
        %scan3A_189 = arith.constant 0 : i32
        scf.yield %scan3A_189 : i32
      }
      %scan3A_93 = arith.constant 200 : i32
      %scan3A_94 = arith.constant 0 : i32
      scf.yield %scan3A_94 : i32
    }
    %scan3A_62 = arith.constant 7 : i32
    %add3A_63 = arith.constant 3 : i32
    %add3A_64 = arith.addi %mul3A_2, %add3A_63 : i32
    %mul3A_65 = arith.constant 16 : i32
    %mul3A_66 = arith.muli %add3A_64, %mul3A_65 : i32
    %get3A_67 = arith.index_cast %mul3A_66 : i32 to index
    %get3A_68 = tpu.vector_load %arg7[%get3A_67] {strides = array<i32>} : memref<2048xf32, #tpu.memory_space<vmem>>, vector<16xf32>,
    %broadcast_in_dim3A_69 = arith.constant 0 : i32
    %broadcast_in_dim3A_70 = vector.broadcast %broadcast_in_dim3A_69 : i32 to vector<16xi32>
    %add3A_71 = arith.constant 49152 : i32
    %add3A_72 = vector.broadcast %add3A_71 : i32 to vector<16xi32>
    %add3A_73 = arith.addi %broadcast_in_dim3A_70, %add3A_72 : vector<16xi32>
    %scan3A_74 = arith.constant 0 : i32
    %scan3A_75 = arith.constant 0 : i32
    %scan3A_76 = arith.constant 7 : i32
    %scan3A_77 = arith.addi %scan3A_75, %scan3A_76 : i32
    %scan3A_78 = arith.constant 1 : i32
    %scan3A_79 = scf.for %scan3A_83 = %scan3A_75 to %scan3A_77 step %scan3A_78 iter_args(%scan3A_84 = %scan3A_74) -> (i32)  : i32 {
      %mul3A_85 = arith.constant 12800 : i32
      %mul3A_86 = arith.muli %scan3A_83, %mul3A_85 : i32
      "tpu.region"() ({
        %run_scoped3A = tpu.sem_alloc : memref<!tpu.dma_semaphore, #tpu.memory_space<semaphore_mem>>
        %dma_start3A = tpu.memref_slice %arg2[%add3A_64, %mul3A_86] : memref<128x100000xf32, #tpu.memory_space<hbm>> -> memref<1x12800xf32, #tpu.memory_space<hbm>>
        %dma_start3A_95 = tpu.memref_squeeze %dma_start3A : memref<1x12800xf32, #tpu.memory_space<hbm>> -> memref<12800xf32, #tpu.memory_space<hbm>>
        %dma_start3A_96 = tpu.memref_slice %arg2[%add3A_64, %mul3A_86] : memref<128x100000xf32, #tpu.memory_space<hbm>> -> memref<1x12800xf32, #tpu.memory_space<hbm>>
        %dma_start3A_97 = tpu.memref_squeeze %dma_start3A_96 : memref<1x12800xf32, #tpu.memory_space<hbm>> -> memref<12800xf32, #tpu.memory_space<hbm>>
        tpu.enqueue_dma source(%dma_start3A_97 : memref<12800xf32, #tpu.memory_space<hbm>>) target(%arg5 : memref<12800xf32, #tpu.memory_space<vmem>>) target_semaphore(%run_scoped3A : memref<!tpu.dma_semaphore, #tpu.memory_space<semaphore_mem>>)
        %dma_wait3A = tpu.memref_slice %arg2[%add3A_64, %mul3A_86] : memref<128x100000xf32, #tpu.memory_space<hbm>> -> memref<1x12800xf32, #tpu.memory_space<hbm>>
        %dma_wait3A_98 = tpu.memref_squeeze %dma_wait3A : memref<1x12800xf32, #tpu.memory_space<hbm>> -> memref<12800xf32, #tpu.memory_space<hbm>>
        %dma_wait3A_99 = tpu.memref_slice %arg2[%add3A_64, %mul3A_86] : memref<128x100000xf32, #tpu.memory_space<hbm>> -> memref<1x12800xf32, #tpu.memory_space<hbm>>
        %dma_wait3A_100 = tpu.memref_squeeze %dma_wait3A_99 : memref<1x12800xf32, #tpu.memory_space<hbm>> -> memref<12800xf32, #tpu.memory_space<hbm>>
        tpu.wait_dma2 semaphore(%run_scoped3A : memref<!tpu.dma_semaphore, #tpu.memory_space<semaphore_mem>>) src(%dma_wait3A_100 : memref<12800xf32, #tpu.memory_space<hbm>>) dst(%arg5 : memref<12800xf32, #tpu.memory_space<vmem>>)
        tpu.yield
      }) : () -> ()
      %scan3A_87 = arith.constant 0 : i32
      %scan3A_88 = arith.constant 0 : i32
      %scan3A_89 = arith.constant 200 : i32
      %scan3A_90 = arith.addi %scan3A_88, %scan3A_89 : i32
      %scan3A_91 = arith.constant 1 : i32
      %scan3A_92 = scf.for %scan3A_95 = %scan3A_88 to %scan3A_90 step %scan3A_91 iter_args(%scan3A_96 = %scan3A_87) -> (i32)  : i32 {
        %mul3A_97 = arith.constant 64 : i32
        %mul3A_98 = arith.muli %scan3A_95, %mul3A_97 : i32
        %add3A_99 = arith.constant 0 : i32
        %add3A_100 = arith.addi %mul3A_98, %add3A_99 : i32
        %get3A_101 = arith.index_cast %add3A_100 : i32 to index
        %get3A_102 = tpu.vector_load %arg5[%get3A_101] {strides = array<i32>} : memref<12800xf32, #tpu.memory_space<vmem>>, vector<16xf32>,
        %bitcast_convert_type3A = tpu.bitcast %get3A_102 : vector<16xf32> -> vector<16xi32>
        %shift_right_logical3A = arith.constant 31 : i32
        %shift_right_logical3A_103 = vector.broadcast %shift_right_logical3A : i32 to vector<16xi32>
        %shift_right_logical3A_104 = arith.shrui %bitcast_convert_type3A, %shift_right_logical3A_103 : vector<16xi32>
        %eq3A = arith.constant 1 : i32
        %eq3A_105 = vector.broadcast %eq3A : i32 to vector<16xi32>
        %eq3A_106 = arith.cmpi eq, %shift_right_logical3A_104, %eq3A_105 : vector<16xi32>
        %not3A = arith.constant dense<-1> : vector<16xi32>
        %not3A_107 = arith.xori %bitcast_convert_type3A, %not3A : vector<16xi32>
        %or3A = arith.constant -2147483648 : i32
        %or3A_108 = vector.broadcast %or3A : i32 to vector<16xi32>
        %or3A_109 = arith.ori %bitcast_convert_type3A, %or3A_108 : vector<16xi32>
        %select_n3A = arith.select %eq3A_106, %not3A_107, %or3A_109 : vector<16xi1>, vector<16xi32>
        %shift_right_logical3A_110 = arith.constant 18 : i32
        %shift_right_logical3A_111 = vector.broadcast %shift_right_logical3A_110 : i32 to vector<16xi32>
        %shift_right_logical3A_112 = arith.shrui %select_n3A, %shift_right_logical3A_111 : vector<16xi32>
        %sub3A = arith.subf %get3A_102, %get3A_68 : vector<16xf32>
        %exp3A = math.exp %sub3A : vector<16xf32>
        %add3A_113 = arith.addi %add3A_73, %shift_right_logical3A_112 : vector<16xi32>
        tpu.vector_store_idx %arg6[%add3A_113], %exp3A {add = true} : memref<65536xf32, #tpu.memory_space<vmem>>[vector<16xi32>], vector<16xf32>,
        %mul3A_114 = arith.constant 64 : i32
        %mul3A_115 = arith.muli %scan3A_95, %mul3A_114 : i32
        %add3A_116 = arith.constant 16 : i32
        %add3A_117 = arith.addi %mul3A_115, %add3A_116 : i32
        %get3A_118 = arith.index_cast %add3A_117 : i32 to index
        %get3A_119 = tpu.vector_load %arg5[%get3A_118] {strides = array<i32>} : memref<12800xf32, #tpu.memory_space<vmem>>, vector<16xf32>,
        %bitcast_convert_type3A_120 = tpu.bitcast %get3A_119 : vector<16xf32> -> vector<16xi32>
        %shift_right_logical3A_121 = arith.constant 31 : i32
        %shift_right_logical3A_122 = vector.broadcast %shift_right_logical3A_121 : i32 to vector<16xi32>
        %shift_right_logical3A_123 = arith.shrui %bitcast_convert_type3A_120, %shift_right_logical3A_122 : vector<16xi32>
        %eq3A_124 = arith.constant 1 : i32
        %eq3A_125 = vector.broadcast %eq3A_124 : i32 to vector<16xi32>
        %eq3A_126 = arith.cmpi eq, %shift_right_logical3A_123, %eq3A_125 : vector<16xi32>
        %not3A_127 = arith.constant dense<-1> : vector<16xi32>
        %not3A_128 = arith.xori %bitcast_convert_type3A_120, %not3A_127 : vector<16xi32>
        %or3A_129 = arith.constant -2147483648 : i32
        %or3A_130 = vector.broadcast %or3A_129 : i32 to vector<16xi32>
        %or3A_131 = arith.ori %bitcast_convert_type3A_120, %or3A_130 : vector<16xi32>
        %select_n3A_132 = arith.select %eq3A_126, %not3A_128, %or3A_131 : vector<16xi1>, vector<16xi32>
        %shift_right_logical3A_133 = arith.constant 18 : i32
        %shift_right_logical3A_134 = vector.broadcast %shift_right_logical3A_133 : i32 to vector<16xi32>
        %shift_right_logical3A_135 = arith.shrui %select_n3A_132, %shift_right_logical3A_134 : vector<16xi32>
        %sub3A_136 = arith.subf %get3A_119, %get3A_68 : vector<16xf32>
        %exp3A_137 = math.exp %sub3A_136 : vector<16xf32>
        %add3A_138 = arith.addi %add3A_73, %shift_right_logical3A_135 : vector<16xi32>
        tpu.vector_store_idx %arg6[%add3A_138], %exp3A_137 {add = true} : memref<65536xf32, #tpu.memory_space<vmem>>[vector<16xi32>], vector<16xf32>,
        %mul3A_139 = arith.constant 64 : i32
        %mul3A_140 = arith.muli %scan3A_95, %mul3A_139 : i32
        %add3A_141 = arith.constant 32 : i32
        %add3A_142 = arith.addi %mul3A_140, %add3A_141 : i32
        %get3A_143 = arith.index_cast %add3A_142 : i32 to index
        %get3A_144 = tpu.vector_load %arg5[%get3A_143] {strides = array<i32>} : memref<12800xf32, #tpu.memory_space<vmem>>, vector<16xf32>,
        %bitcast_convert_type3A_145 = tpu.bitcast %get3A_144 : vector<16xf32> -> vector<16xi32>
        %shift_right_logical3A_146 = arith.constant 31 : i32
        %shift_right_logical3A_147 = vector.broadcast %shift_right_logical3A_146 : i32 to vector<16xi32>
        %shift_right_logical3A_148 = arith.shrui %bitcast_convert_type3A_145, %shift_right_logical3A_147 : vector<16xi32>
        %eq3A_149 = arith.constant 1 : i32
        %eq3A_150 = vector.broadcast %eq3A_149 : i32 to vector<16xi32>
        %eq3A_151 = arith.cmpi eq, %shift_right_logical3A_148, %eq3A_150 : vector<16xi32>
        %not3A_152 = arith.constant dense<-1> : vector<16xi32>
        %not3A_153 = arith.xori %bitcast_convert_type3A_145, %not3A_152 : vector<16xi32>
        %or3A_154 = arith.constant -2147483648 : i32
        %or3A_155 = vector.broadcast %or3A_154 : i32 to vector<16xi32>
        %or3A_156 = arith.ori %bitcast_convert_type3A_145, %or3A_155 : vector<16xi32>
        %select_n3A_157 = arith.select %eq3A_151, %not3A_153, %or3A_156 : vector<16xi1>, vector<16xi32>
        %shift_right_logical3A_158 = arith.constant 18 : i32
        %shift_right_logical3A_159 = vector.broadcast %shift_right_logical3A_158 : i32 to vector<16xi32>
        %shift_right_logical3A_160 = arith.shrui %select_n3A_157, %shift_right_logical3A_159 : vector<16xi32>
        %sub3A_161 = arith.subf %get3A_144, %get3A_68 : vector<16xf32>
        %exp3A_162 = math.exp %sub3A_161 : vector<16xf32>
        %add3A_163 = arith.addi %add3A_73, %shift_right_logical3A_160 : vector<16xi32>
        tpu.vector_store_idx %arg6[%add3A_163], %exp3A_162 {add = true} : memref<65536xf32, #tpu.memory_space<vmem>>[vector<16xi32>], vector<16xf32>,
        %mul3A_164 = arith.constant 64 : i32
        %mul3A_165 = arith.muli %scan3A_95, %mul3A_164 : i32
        %add3A_166 = arith.constant 48 : i32
        %add3A_167 = arith.addi %mul3A_165, %add3A_166 : i32
        %get3A_168 = arith.index_cast %add3A_167 : i32 to index
        %get3A_169 = tpu.vector_load %arg5[%get3A_168] {strides = array<i32>} : memref<12800xf32, #tpu.memory_space<vmem>>, vector<16xf32>,
        %bitcast_convert_type3A_170 = tpu.bitcast %get3A_169 : vector<16xf32> -> vector<16xi32>
        %shift_right_logical3A_171 = arith.constant 31 : i32
        %shift_right_logical3A_172 = vector.broadcast %shift_right_logical3A_171 : i32 to vector<16xi32>
        %shift_right_logical3A_173 = arith.shrui %bitcast_convert_type3A_170, %shift_right_logical3A_172 : vector<16xi32>
        %eq3A_174 = arith.constant 1 : i32
        %eq3A_175 = vector.broadcast %eq3A_174 : i32 to vector<16xi32>
        %eq3A_176 = arith.cmpi eq, %shift_right_logical3A_173, %eq3A_175 : vector<16xi32>
        %not3A_177 = arith.constant dense<-1> : vector<16xi32>
        %not3A_178 = arith.xori %bitcast_convert_type3A_170, %not3A_177 : vector<16xi32>
        %or3A_179 = arith.constant -2147483648 : i32
        %or3A_180 = vector.broadcast %or3A_179 : i32 to vector<16xi32>
        %or3A_181 = arith.ori %bitcast_convert_type3A_170, %or3A_180 : vector<16xi32>
        %select_n3A_182 = arith.select %eq3A_176, %not3A_178, %or3A_181 : vector<16xi1>, vector<16xi32>
        %shift_right_logical3A_183 = arith.constant 18 : i32
        %shift_right_logical3A_184 = vector.broadcast %shift_right_logical3A_183 : i32 to vector<16xi32>
        %shift_right_logical3A_185 = arith.shrui %select_n3A_182, %shift_right_logical3A_184 : vector<16xi32>
        %sub3A_186 = arith.subf %get3A_169, %get3A_68 : vector<16xf32>
        %exp3A_187 = math.exp %sub3A_186 : vector<16xf32>
        %add3A_188 = arith.addi %add3A_73, %shift_right_logical3A_185 : vector<16xi32>
        tpu.vector_store_idx %arg6[%add3A_188], %exp3A_187 {add = true} : memref<65536xf32, #tpu.memory_space<vmem>>[vector<16xi32>], vector<16xf32>,
        %scan3A_189 = arith.constant 0 : i32
        scf.yield %scan3A_189 : i32
      }
      %scan3A_93 = arith.constant 200 : i32
      %scan3A_94 = arith.constant 0 : i32
      scf.yield %scan3A_94 : i32
    }
    %scan3A_80 = arith.constant 7 : i32
    %mul3A_81 = arith.constant 16384 : i32
    %mul3A_82 = arith.muli %mul3A_2, %mul3A_81 : i32
    "tpu.region"() ({
      %run_scoped3A = tpu.sem_alloc : memref<!tpu.dma_semaphore, #tpu.memory_space<semaphore_mem>>
      %dma_start3A = tpu.memref_slice %arg4[%mul3A_82] : memref<2097152xf32, #tpu.memory_space<hbm>> -> memref<65536xf32, #tpu.memory_space<hbm>>
      %dma_start3A_83 = tpu.memref_slice %arg4[%mul3A_82] : memref<2097152xf32, #tpu.memory_space<hbm>> -> memref<65536xf32, #tpu.memory_space<hbm>>
      tpu.enqueue_dma source(%arg6 : memref<65536xf32, #tpu.memory_space<vmem>>) target(%dma_start3A_83 : memref<65536xf32, #tpu.memory_space<hbm>>) target_semaphore(%run_scoped3A : memref<!tpu.dma_semaphore, #tpu.memory_space<semaphore_mem>>)
      %dma_wait3A = tpu.memref_slice %arg4[%mul3A_82] : memref<2097152xf32, #tpu.memory_space<hbm>> -> memref<65536xf32, #tpu.memory_space<hbm>>
      %dma_wait3A_84 = tpu.memref_slice %arg4[%mul3A_82] : memref<2097152xf32, #tpu.memory_space<hbm>> -> memref<65536xf32, #tpu.memory_space<hbm>>
      tpu.wait_dma2 semaphore(%run_scoped3A : memref<!tpu.dma_semaphore, #tpu.memory_space<semaphore_mem>>) src(%arg6 : memref<65536xf32, #tpu.memory_space<vmem>>) dst(%dma_wait3A_84 : memref<65536xf32, #tpu.memory_space<hbm>>)
      tpu.yield
    }) : () -> ()
    return
  }
}

module attributes {stable_mosaic.version = 14 : i64} {
  func.func @_rowmax_kernel(%arg0: i32, %arg1: memref<8x100000xf32, #tpu.memory_space<vmem>>, %arg2: memref<8x128xf32, #tpu.memory_space<vmem>>) attributes {dimension_semantics = [#tpu.dimension_semantics<arbitrary>], iteration_bounds = array<i64: 16>, scalar_prefetch = 0 : i64, scratch_operands = 0 : i64, tpu.core_type = #tpu.core_type<tc>, window_params = [{transform_indices = @transform_0, window_bounds = array<i64: 8, 100000>}, {transform_indices = @transform_1, window_bounds = array<i64: 8, 128>}]} {
    %get3A = arith.constant 0 : index
    %get3A_0 = arith.constant 0 : index
    %get3A_1 = vector.load %arg1[%get3A, %get3A_0] : memref<8x100000xf32, #tpu.memory_space<vmem>>, vector<8x100000xf32>
    %reduce_max3A = arith.constant dense<0xFF800000> : vector<8xf32>
    %reduce_max3A_2 = vector.multi_reduction <maximumf>, %get3A_1, %reduce_max3A [1] : vector<8x100000xf32> to vector<8xf32>
    %broadcast_in_dim3A = vector.shape_cast %reduce_max3A_2 : vector<8xf32> to vector<8x1xf32>
    %broadcast_in_dim3A_3 = vector.shape_cast %broadcast_in_dim3A : vector<8x1xf32> to vector<8x1xf32>
    %broadcast_in_dim3A_4 = vector.broadcast %broadcast_in_dim3A_3 : vector<8x1xf32> to vector<8x128xf32>
    %swap3A = arith.constant 0 : index
    %swap3A_5 = arith.constant 0 : index
    %swap3A_6 = vector.load %arg2[%swap3A, %swap3A_5] : memref<8x128xf32, #tpu.memory_space<vmem>>, vector<8x128xf32>
    tpu.vector_store %arg2[%swap3A, %swap3A_5], %broadcast_in_dim3A_4 {strides = array<i32>} : memref<8x128xf32, #tpu.memory_space<vmem>>, vector<8x128xf32>,
    return
  }
  func.func @transform_0(%arg0: i32) -> (i32, i32) {
    %c0_i32 = arith.constant 0 : i32
    %c0_i32_0 = arith.constant 0 : i32
    return %arg0, %c0_i32 : i32, i32
  }
  func.func @transform_1(%arg0: i32) -> (i32, i32) {
    %c0_i32 = arith.constant 0 : i32
    %c0_i32_0 = arith.constant 0 : i32
    return %arg0, %c0_i32 : i32, i32
  }
}

module attributes {stable_mosaic.version = 14 : i64} {
  func.func @_mask_kernel(%arg0: i32, %arg1: memref<8x100000xf32, #tpu.memory_space<vmem>>, %arg2: memref<8x16384xf32, #tpu.memory_space<vmem>>, %arg3: memref<1x100000xf32, #tpu.memory_space<vmem>>) attributes {dimension_semantics = [#tpu.dimension_semantics<arbitrary>], iteration_bounds = array<i64: 16>, scalar_prefetch = 0 : i64, scratch_operands = 0 : i64, tpu.core_type = #tpu.core_type<tc>, window_params = [{transform_indices = @transform_0, window_bounds = array<i64: 8, 100000>}, {transform_indices = @transform_1, window_bounds = array<i64: 8, 16384>}, {pipeline_mode = #tpu.pipeline_mode<synchronous>, transform_indices = @transform_2, window_bounds = array<i64: 1, 100000>}]} {
    %get3A = arith.constant 0 : index
    %get3A_0 = arith.constant 0 : index
    %get3A_1 = vector.load %arg2[%get3A, %get3A_0] : memref<8x16384xf32, #tpu.memory_space<vmem>>, vector<8x16384xf32>
    %reduce_sum3A = arith.constant dense<0.000000e+00> : vector<8xf32>
    %reduce_sum3A_2 = vector.multi_reduction <add>, %get3A_1, %reduce_sum3A [1] : vector<8x16384xf32> to vector<8xf32>
    %broadcast_in_dim3A = vector.shape_cast %reduce_sum3A_2 : vector<8xf32> to vector<8x1xf32>
    %mul3A = arith.constant 8.000000e-01 : f32
    %mul3A_3 = vector.broadcast %mul3A : f32 to vector<8x1xf32>
    %mul3A_4 = arith.mulf %mul3A_3, %broadcast_in_dim3A : vector<8x1xf32>
    %add3A = arith.constant 1.000000e+00 : f32
    %add3A_5 = vector.broadcast %add3A : f32 to vector<8x1xf32>
    %add3A_6 = arith.addf %mul3A_4, %add3A_5 : vector<8x1xf32>
    %iota3A = tpu.iota {dimensions = array<i32: 1>} : vector<8x16384xi32>
    %broadcast_in_dim3A_7 = arith.constant 0 : i32
    %broadcast_in_dim3A_8 = vector.broadcast %broadcast_in_dim3A_7 : i32 to vector<8x1xi32>
    %broadcast_in_dim3A_9 = arith.constant 16383 : i32
    %broadcast_in_dim3A_10 = vector.broadcast %broadcast_in_dim3A_9 : i32 to vector<8x1xi32>
    %scan3A = arith.constant 0 : i32
    %scan3A_11 = arith.constant 14 : i32
    %scan3A_12 = arith.addi %scan3A, %scan3A_11 : i32
    %scan3A_13 = arith.constant 1 : i32
    %scan3A_14:2 = scf.for %scan3A_48 = %scan3A to %scan3A_12 step %scan3A_13 iter_args(%scan3A_49 = %broadcast_in_dim3A_8, %scan3A_50 = %broadcast_in_dim3A_10) -> (vector<8x1xi32>, vector<8x1xi32>)  : i32 {
      %sub3A_51 = arith.subi %scan3A_50, %scan3A_49 : vector<8x1xi32>
      %shift_right_arithmetic3A = arith.constant 1 : i32
      %shift_right_arithmetic3A_52 = vector.broadcast %shift_right_arithmetic3A : i32 to vector<8x1xi32>
      %shift_right_arithmetic3A_53 = arith.shrsi %sub3A_51, %shift_right_arithmetic3A_52 : vector<8x1xi32>
      %add3A_54 = arith.addi %scan3A_49, %shift_right_arithmetic3A_53 : vector<8x1xi32>
      %gt3A_55 = vector.broadcast %add3A_54 : vector<8x1xi32> to vector<8x16384xi32>
      %gt3A_56 = arith.cmpi sgt, %iota3A, %gt3A_55 : vector<8x16384xi32>
      %jit3A_57 = arith.constant 0.000000e+00 : f32
      %broadcast_in_dim3A_58 = vector.broadcast %jit3A_57 : f32 to vector<8x16384xf32>
      %select_n3A_59 = arith.select %gt3A_56, %get3A_1, %broadcast_in_dim3A_58 : vector<8x16384xi1>, vector<8x16384xf32>
      %reduce_sum3A_60 = arith.constant dense<0.000000e+00> : vector<8xf32>
      %reduce_sum3A_61 = vector.multi_reduction <add>, %select_n3A_59, %reduce_sum3A_60 [1] : vector<8x16384xf32> to vector<8xf32>
      %broadcast_in_dim3A_62 = vector.shape_cast %reduce_sum3A_61 : vector<8xf32> to vector<8x1xf32>
      %le3A = arith.cmpf ole, %broadcast_in_dim3A_62, %add3A_6 : vector<8x1xf32>
      %add3A_63 = arith.constant 1 : i32
      %add3A_64 = vector.broadcast %add3A_63 : i32 to vector<8x1xi32>
      %add3A_65 = arith.addi %add3A_54, %add3A_64 : vector<8x1xi32>
      %select_n3A_66 = arith.select %le3A, %scan3A_49, %add3A_65 : vector<8x1xi1>, vector<8x1xi32>
      %select_n3A_67 = arith.select %le3A, %add3A_54, %scan3A_50 : vector<8x1xi1>, vector<8x1xi32>
      scf.yield %select_n3A_66, %select_n3A_67 : vector<8x1xi32>, vector<8x1xi32>
    }
    %add3A_15 = arith.constant 1 : i32
    %add3A_16 = vector.broadcast %add3A_15 : i32 to vector<8x1xi32>
    %add3A_17 = arith.addi %scan3A_14#1, %add3A_16 : vector<8x1xi32>
    %mul3A_18 = arith.constant 262144 : i32
    %mul3A_19 = vector.broadcast %mul3A_18 : i32 to vector<8x1xi32>
    %mul3A_20 = arith.muli %add3A_17, %mul3A_19 : vector<8x1xi32>
    %sub3A = arith.constant 1 : i32
    %sub3A_21 = vector.broadcast %sub3A : i32 to vector<8x1xi32>
    %sub3A_22 = arith.subi %mul3A_20, %sub3A_21 : vector<8x1xi32>
    %get3A_23 = arith.constant 0 : index
    %get3A_24 = arith.constant 0 : index
    %get3A_25 = vector.load %arg1[%get3A_23, %get3A_24] : memref<8x100000xf32, #tpu.memory_space<vmem>>, vector<8x100000xf32>
    %bitcast_convert_type3A = tpu.bitcast %get3A_25 : vector<8x100000xf32> -> vector<8x100000xi32>
    %shift_right_logical3A = arith.constant 31 : i32
    %shift_right_logical3A_26 = vector.broadcast %shift_right_logical3A : i32 to vector<8x100000xi32>
    %shift_right_logical3A_27 = arith.shrui %bitcast_convert_type3A, %shift_right_logical3A_26 : vector<8x100000xi32>
    %eq3A = arith.constant 1 : i32
    %eq3A_28 = vector.broadcast %eq3A : i32 to vector<8x100000xi32>
    %eq3A_29 = arith.cmpi eq, %shift_right_logical3A_27, %eq3A_28 : vector<8x100000xi32>
    %not3A = arith.constant dense<-1> : vector<8x100000xi32>
    %not3A_30 = arith.xori %bitcast_convert_type3A, %not3A : vector<8x100000xi32>
    %or3A = arith.constant -2147483648 : i32
    %or3A_31 = vector.broadcast %or3A : i32 to vector<8x100000xi32>
    %or3A_32 = arith.ori %bitcast_convert_type3A, %or3A_31 : vector<8x100000xi32>
    %select_n3A = arith.select %eq3A_29, %not3A_30, %or3A_32 : vector<8x100000xi1>, vector<8x100000xi32>
    %gt3A = vector.broadcast %sub3A_22 : vector<8x1xi32> to vector<8x100000xi32>
    %gt3A_33 = arith.cmpi ugt, %select_n3A, %gt3A : vector<8x100000xi32>
    %jit3A = arith.constant 0.000000e+00 : f32
    %jit3A_34 = arith.constant 1.000000e+00 : f32
    %broadcast_in_dim3A_35 = vector.broadcast %jit3A : f32 to vector<8x100000xf32>
    %broadcast_in_dim3A_36 = vector.broadcast %jit3A_34 : f32 to vector<8x100000xf32>
    %select_n3A_37 = arith.select %gt3A_33, %broadcast_in_dim3A_35, %broadcast_in_dim3A_36 : vector<8x100000xi1>, vector<8x100000xf32>
    %reduce_max3A = arith.constant dense<0xFF800000> : vector<100000xf32>
    %reduce_max3A_38 = vector.multi_reduction <maximumf>, %select_n3A_37, %reduce_max3A [0] : vector<8x100000xf32> to vector<100000xf32>
    %broadcast_in_dim3A_39 = vector.shape_cast %reduce_max3A_38 : vector<100000xf32> to vector<1x100000xf32>
    %eq3A_40 = arith.constant 0 : i32
    %eq3A_41 = arith.cmpi eq, %arg0, %eq3A_40 : i32
    %convert_element_type3A = arith.extui %eq3A_41 : i1 to i32
    %cond3A = arith.constant 0 : i32
    %cond3A_42 = arith.cmpi ne, %convert_element_type3A, %cond3A : i32
    scf.if %cond3A_42 {
      %swap3A = arith.constant 0 : index
      %swap3A_48 = arith.constant 0 : index
      %swap3A_49 = vector.load %arg3[%swap3A, %swap3A_48] : memref<1x100000xf32, #tpu.memory_space<vmem>>, vector<1x100000xf32>
      tpu.vector_store %arg3[%swap3A, %swap3A_48], %broadcast_in_dim3A_39 {strides = array<i32>} : memref<1x100000xf32, #tpu.memory_space<vmem>>, vector<1x100000xf32>,
    } else {
    }
    %gt3A_43 = arith.constant 0 : i32
    %gt3A_44 = arith.cmpi sgt, %arg0, %gt3A_43 : i32
    %convert_element_type3A_45 = arith.extui %gt3A_44 : i1 to i32
    %cond3A_46 = arith.constant 0 : i32
    %cond3A_47 = arith.cmpi ne, %convert_element_type3A_45, %cond3A_46 : i32
    scf.if %cond3A_47 {
      %get3A_48 = arith.constant 0 : index
      %get3A_49 = arith.constant 0 : index
      %get3A_50 = vector.load %arg3[%get3A_48, %get3A_49] : memref<1x100000xf32, #tpu.memory_space<vmem>>, vector<1x100000xf32>
      %max3A = arith.maximumf %get3A_50, %broadcast_in_dim3A_39 : vector<1x100000xf32>
      %swap3A = arith.constant 0 : index
      %swap3A_51 = arith.constant 0 : index
      %swap3A_52 = vector.load %arg3[%swap3A, %swap3A_51] : memref<1x100000xf32, #tpu.memory_space<vmem>>, vector<1x100000xf32>
      tpu.vector_store %arg3[%swap3A, %swap3A_51], %max3A {strides = array<i32>} : memref<1x100000xf32, #tpu.memory_space<vmem>>, vector<1x100000xf32>,
    } else {
    }
    return
  }
  func.func @transform_0(%arg0: i32) -> (i32, i32) {
    %c0_i32 = arith.constant 0 : i32
    %c0_i32_0 = arith.constant 0 : i32
    return %arg0, %c0_i32 : i32, i32
  }
  func.func @transform_1(%arg0: i32) -> (i32, i32) {
    %c0_i32 = arith.constant 0 : i32
    %c0_i32_0 = arith.constant 0 : i32
    return %arg0, %c0_i32 : i32, i32
  }
  func.func @transform_2(%arg0: i32) -> (i32, i32) {
    %c0_i32 = arith.constant 0 : i32
    %c0_i32_0 = arith.constant 0 : i32
    %c0_i32_1 = arith.constant 0 : i32
    return %c0_i32, %c0_i32_0 : i32, i32
  }
}

module attributes {stable_mosaic.version = 14 : i64} {
  func.func @_apply_kernel(%arg0: i32, %arg1: memref<8x100000xf32, #tpu.memory_space<vmem>>, %arg2: memref<8x100000xf32, #tpu.memory_space<vmem>>, %arg3: memref<1x100000xf32, #tpu.memory_space<vmem>>, %arg4: memref<8x100000xf32, #tpu.memory_space<vmem>>, %arg5: memref<8x128xi32, #tpu.memory_space<vmem>>) attributes {dimension_semantics = [#tpu.dimension_semantics<arbitrary>], iteration_bounds = array<i64: 16>, scalar_prefetch = 0 : i64, scratch_operands = 0 : i64, tpu.core_type = #tpu.core_type<tc>, window_params = [{transform_indices = @transform_0, window_bounds = array<i64: 8, 100000>}, {transform_indices = @transform_1, window_bounds = array<i64: 8, 100000>}, {pipeline_mode = #tpu.pipeline_mode<synchronous>, transform_indices = @transform_2, window_bounds = array<i64: 1, 100000>}, {transform_indices = @transform_3, window_bounds = array<i64: 8, 100000>}, {transform_indices = @transform_4, window_bounds = array<i64: 8, 128>}]} {
    %get3A = arith.constant 0 : index
    %get3A_0 = arith.constant 0 : index
    %get3A_1 = vector.load %arg1[%get3A, %get3A_0] : memref<8x100000xf32, #tpu.memory_space<vmem>>, vector<8x100000xf32>
    %get3A_2 = arith.constant 0 : index
    %get3A_3 = arith.constant 0 : index
    %get3A_4 = vector.load %arg3[%get3A_2, %get3A_3] : memref<1x100000xf32, #tpu.memory_space<vmem>>, vector<1x100000xf32>
    %gt3A = arith.constant 0.000000e+00 : f32
    %gt3A_5 = vector.broadcast %gt3A : f32 to vector<1x100000xf32>
    %gt3A_6 = arith.cmpf ogt, %get3A_4, %gt3A_5 : vector<1x100000xf32>
    %jit3A = arith.constant -1.000000e+04 : f32
    %broadcast_in_dim3A = vector.shape_cast %gt3A_6 : vector<1x100000xi1> to vector<1x100000xi1>
    %broadcast_in_dim3A_7 = vector.broadcast %broadcast_in_dim3A : vector<1x100000xi1> to vector<8x100000xi1>
    %broadcast_in_dim3A_8 = vector.broadcast %jit3A : f32 to vector<8x100000xf32>
    %select_n3A = arith.select %broadcast_in_dim3A_7, %broadcast_in_dim3A_8, %get3A_1 : vector<8x100000xi1>, vector<8x100000xf32>
    %reduce_max3A = arith.constant dense<0xFF800000> : vector<8xf32>
    %reduce_max3A_9 = vector.multi_reduction <maximumf>, %select_n3A, %reduce_max3A [1] : vector<8x100000xf32> to vector<8xf32>
    %broadcast_in_dim3A_10 = vector.shape_cast %reduce_max3A_9 : vector<8xf32> to vector<8x1xf32>
    %sub3A = vector.broadcast %broadcast_in_dim3A_10 : vector<8x1xf32> to vector<8x100000xf32>
    %sub3A_11 = arith.subf %select_n3A, %sub3A : vector<8x100000xf32>
    %exp3A = math.exp %sub3A_11 : vector<8x100000xf32>
    %reduce_sum3A = arith.constant dense<0.000000e+00> : vector<8xf32>
    %reduce_sum3A_12 = vector.multi_reduction <add>, %exp3A, %reduce_sum3A [1] : vector<8x100000xf32> to vector<8xf32>
    %broadcast_in_dim3A_13 = vector.shape_cast %reduce_sum3A_12 : vector<8xf32> to vector<8x1xf32>
    %div3A = vector.broadcast %broadcast_in_dim3A_13 : vector<8x1xf32> to vector<8x100000xf32>
    %div3A_14 = arith.divf %exp3A, %div3A : vector<8x100000xf32>
    %swap3A = arith.constant 0 : index
    %swap3A_15 = arith.constant 0 : index
    %swap3A_16 = vector.load %arg4[%swap3A, %swap3A_15] : memref<8x100000xf32, #tpu.memory_space<vmem>>, vector<8x100000xf32>
    tpu.vector_store %arg4[%swap3A, %swap3A_15], %div3A_14 {strides = array<i32>} : memref<8x100000xf32, #tpu.memory_space<vmem>>, vector<8x100000xf32>,
    %get3A_17 = arith.constant 0 : index
    %get3A_18 = arith.constant 0 : index
    %get3A_19 = vector.load %arg2[%get3A_17, %get3A_18] : memref<8x100000xf32, #tpu.memory_space<vmem>>, vector<8x100000xf32>
    %add3A = arith.addf %select_n3A, %get3A_19 : vector<8x100000xf32>
    %reduce_max3A_20 = arith.constant dense<0xFF800000> : vector<8xf32>
    %reduce_max3A_21 = vector.multi_reduction <maximumf>, %add3A, %reduce_max3A_20 [1] : vector<8x100000xf32> to vector<8xf32>
    %broadcast_in_dim3A_22 = vector.shape_cast %reduce_max3A_21 : vector<8xf32> to vector<8x1xf32>
    %iota3A = tpu.iota {dimensions = array<i32: 1>} : vector<8x100000xi32>
    %eq3A = vector.broadcast %broadcast_in_dim3A_22 : vector<8x1xf32> to vector<8x100000xf32>
    %eq3A_23 = arith.cmpf oeq, %add3A, %eq3A : vector<8x100000xf32>
    %jit3A_24 = arith.constant 100000 : i32
    %broadcast_in_dim3A_25 = vector.broadcast %jit3A_24 : i32 to vector<8x100000xi32>
    %select_n3A_26 = arith.select %eq3A_23, %iota3A, %broadcast_in_dim3A_25 : vector<8x100000xi1>, vector<8x100000xi32>
    %reduce_min3A = arith.constant dense<2147483647> : vector<8xi32>
    %reduce_min3A_27 = vector.multi_reduction <minsi>, %select_n3A_26, %reduce_min3A [1] : vector<8x100000xi32> to vector<8xi32>
    %broadcast_in_dim3A_28 = vector.shape_cast %reduce_min3A_27 : vector<8xi32> to vector<8x1xi32>
    %broadcast_in_dim3A_29 = vector.shape_cast %broadcast_in_dim3A_28 : vector<8x1xi32> to vector<8x1xi32>
    %broadcast_in_dim3A_30 = vector.broadcast %broadcast_in_dim3A_29 : vector<8x1xi32> to vector<8x128xi32>
    %swap3A_31 = arith.constant 0 : index
    %swap3A_32 = arith.constant 0 : index
    %swap3A_33 = vector.load %arg5[%swap3A_31, %swap3A_32] : memref<8x128xi32, #tpu.memory_space<vmem>>, vector<8x128xi32>
    tpu.vector_store %arg5[%swap3A_31, %swap3A_32], %broadcast_in_dim3A_30 {strides = array<i32>} : memref<8x128xi32, #tpu.memory_space<vmem>>, vector<8x128xi32>,
    return
  }
  func.func @transform_0(%arg0: i32) -> (i32, i32) {
    %c0_i32 = arith.constant 0 : i32
    %c0_i32_0 = arith.constant 0 : i32
    return %arg0, %c0_i32 : i32, i32
  }
  func.func @transform_1(%arg0: i32) -> (i32, i32) {
    %c0_i32 = arith.constant 0 : i32
    %c0_i32_0 = arith.constant 0 : i32
    return %arg0, %c0_i32 : i32, i32
  }
  func.func @transform_2(%arg0: i32) -> (i32, i32) {
    %c0_i32 = arith.constant 0 : i32
    %c0_i32_0 = arith.constant 0 : i32
    %c0_i32_1 = arith.constant 0 : i32
    return %c0_i32, %c0_i32_0 : i32, i32
  }
  func.func @transform_3(%arg0: i32) -> (i32, i32) {
    %c0_i32 = arith.constant 0 : i32
    %c0_i32_0 = arith.constant 0 : i32
    return %arg0, %c0_i32 : i32, i32
  }
  func.func @transform_4(%arg0: i32) -> (i32, i32) {
    %c0_i32 = arith.constant 0 : i32
    %c0_i32_0 = arith.constant 0 : i32
    return %arg0, %c0_i32 : i32, i32
  }
}

</mosaic_0001>

<sc_bundles>
// kernel: kernel.6.cloned.1.call-start
scs
__scs_entry_jumppad:
0x0: {  	(pc) =	sbr.rel $0x88, $3  }
0x1: {  	(tag) =	ssettag $0x0;
	lr =	simm.s32 $0x1  }
0x2: {  	[smem:$0x3FA0] =	sst lr;
	_ =	strace $0xD0000000  }
0x3: {  	_ = 	snop  }
0x4: {  	_ = 	snop  }
0x5: {  	_ = 	snop  }
0x6: {  	_ = 	snop  }
0x7: {  	_ = 	snop  }
__scs_overlays_trampoline_lowered:
0x8: {  	[smem:$0x3FAF] =	sst s0  }
0x9: {  	[smem:$0x3FB0] =	sst s1  }
0xa: {  	[smem:$0x3FB1] =	sst s2  }
0xb: {  	[smem:$0x3FB2] =	sst s3  }
0xc: {  	[smem:$0x3FB3] =	sst s4  }
0xd: {  	[smem:$0x3FB4] =	sst s5  }
0xe: {  	[smem:$0x3FB5] =	sst s6  }
0xf: {  	[smem:$0x3FB6] =	sst s7  }
0x10: {  	[smem:$0x3FB7] =	sst s8  }
0x11: {  	[smem:$0x3FB8] =	sst s9;
	s0 =	simm.s32 @!p0 $0x0  }
0x12: {  	s1 =	sld [smem:$0x3F9E];
	s0 =	simm.s32 @p0 $0x1  }
0x13: {  	[smem:$0x3FB9] =	sst s0;
	s0 =	simm.s32 @!p1 $0x0  }
0x14: {  	s2 =	sld [smem:$0x3F9D];
	s0 =	simm.s32 @p1 $0x1  }
0x15: {  	[smem:$0x3FBA] =	sst s0;
	s0 =	simm.s32 @!p2 $0x0  }
0x16: {  	s3 =	sld [smem:$0x3FDB];
	s0 =	simm.s32 @p2 $0x1  }
0x17: {  	s4 =	simm.s32 $0x1BF5;
	[smem:$0x3FBC] =	sst s0  }
0x18: {  	s0 =	sld [smem:$0x3F9F];
	_ =	swait.ge [sflag:s4], $0x0  }
0x19: {  	s7 =	sld [smem:$0x3FA0]  }
0x1a: {  	s8 =	sadd.s32 $0xFFFFE003, lr  }
0x1b: {  	s9 =	sadd.s32 $0xFFFFFEF7, lr;
	s5 =	simm.s32 $0xFFFFFFFF;
	p2 =	slt.u32 s8, $0xFFFFF086  }
0x1c: {  	p1 =	slt.u32 s9, $0xF7A;
	s5 =	simm.s32 @!p2 $0x0  }
0x1d: {  	s5 =	simm.s32 @p1 $0x1;
	p0 =	seq.s32 s7, s2  }
0x1e: {  	s7 =	smul.u32 @!p0 $0xF7A, s2;
	p2 =	seq.s32 @!p0 s5, $0x0  }
0x1f: {  	s9 =	smul.u32 $0xF7A, s1;
	s8 =	simm.s32 @!p0 $0x1BF5;
	p2 =	por !p2, p0  }
0x20: {  	[sflag:s8] =	ssyncset.s32 @!p0 $0xFFFFF086;
	s6 =	sadd.s32 @!p0 s3, s7;
	s7 =	simm.s32 @!p0 $0x108  }
0x21: {  	s3 =	sadd.s32 s3, s9;
	s6 =	sadd.s32 @!p0 $0x88, s6;
	s7 =	simm.s32 @p2 $0x1082  }
0x22: {  	[simem:s7], [sflag:s8] =	dma.local @!p0 [hbm:s6], $0xF7A  }
0x23: {  	s9 =	sor.u32 $0xD0000000, s2;
	s6 =	simm.s32 $0x108;
	_ =	swait.ge @!p0 [sflag:s8], $0x0  }
0x24: {  	s3 =	sadd.s32 $0x88, s3;
	s6 =	simm.s32 @!p1 $0x1082;
	[sflag:s4] =	ssyncset.s32 $0xFFFFF086  }
0x25: {  	[simem:s6], [sflag:s4] =	dma.local [hbm:s3], $0xF7A  }
0x26: {  	[smem:$0x3FA0] =	sst s1;
	(tag) =	ssettag s2;
	_ =	strace s9  }
0x27: {  	s1 =	sld [smem:$0x3FB0]  }
0x28: {  	s2 =	sld [smem:$0x3FB1]  }
0x29: {  	s4 =	sld [smem:$0x3FB3]  }
0x2a: {  	p0 =	seq.s32 s5, $0x0;
	s5 =	sld [smem:$0x3FB4]  }
0x2b: {  	s6 =	sld [smem:$0x3FB5]  }
0x2c: {  	s7 =	sld [smem:$0x3FB6]  }
0x2d: {  	s3 =	simm.s32 $0x108;
	s8 =	sld [smem:$0x3FB7]  }
0x2e: {  	s3 =	simm.s32 @!p0 $0x1082;
	s9 =	sld [smem:$0x3FB8]  }
0x2f: {  	lr =	sadd.s32 s0, s3;
	s0 =	sld [smem:$0x3FAF]  }
0x30: {  	s3 =	sld [smem:$0x3FB2]  }
0x31: {  	[smem:$0x3FBB] =	sst s10  }
0x32: {  	s10 =	sld [smem:$0x3FB9];
	_ =	sdelay $0x3  }
0x33: {  	p0 =	seq.s32 s10, $0x1;
	s10 =	sld [smem:$0x3FBB];
	_ =	sdelay $0x3  }
0x34: {  	[smem:$0x3FBB] =	sst s10  }
0x35: {  	s10 =	sld [smem:$0x3FBA];
	_ =	sdelay $0x3  }
0x36: {  	p1 =	seq.s32 s10, $0x1;
	s10 =	sld [smem:$0x3FBB];
	_ =	sdelay $0x3  }
0x37: {  	[smem:$0x3FBB] =	sst s10  }
0x38: {  	s10 =	sld [smem:$0x3FBC]  }
0x39: {  	_ = 	snop;
	(pc) =	sbr.ind lr, $3  }
0x3a: {  	_ = 	snop  }
0x3b: {  	_ = 	snop  }
0x3c: {  	p2 =	seq.s32 s10, $0x1;
	s10 =	sld [smem:$0x3FBB]  }
0x3d: {  	_ =	shalt  }
0x3e: {  	_ =	shalt  }
0x3f: {  	_ =	shalt  }
0x40: {  	_ =	shalt  }
0x41: {  	_ =	shalt  }
0x42: {  	_ =	shalt  }
0x43: {  	_ =	shalt  }
0x44: {  	_ =	shalt  }
0x45: {  	_ =	shalt  }
0x46: {  	_ =	shalt  }
0x47: {  	_ =	shalt  }
0x48: {  	_ =	shalt  }
0x49: {  	_ =	shalt  }
0x4a: {  	_ =	shalt  }
0x4b: {  	_ =	shalt  }
0x4c: {  	_ =	shalt  }
0x4d: {  	_ =	shalt  }
0x4e: {  	_ =	shalt  }
0x4f: {  	_ =	shalt  }
0x50: {  	_ =	shalt  }
0x51: {  	_ =	shalt  }
0x52: {  	_ =	shalt  }
0x53: {  	_ =	shalt  }
0x54: {  	_ =	shalt  }
0x55: {  	_ =	shalt  }
0x56: {  	_ =	shalt  }
0x57: {  	_ =	shalt  }
0x58: {  	_ =	shalt  }
0x59: {  	_ =	shalt  }
0x5a: {  	_ =	shalt  }
0x5b: {  	_ =	shalt  }
0x5c: {  	_ =	shalt  }
0x5d: {  	_ =	shalt  }
0x5e: {  	_ =	shalt  }
0x5f: {  	_ =	shalt  }
0x60: {  	_ =	shalt  }
0x61: {  	_ =	shalt  }
0x62: {  	_ =	shalt  }
0x63: {  	_ =	shalt  }
0x64: {  	_ =	shalt  }
0x65: {  	_ =	shalt  }
0x66: {  	_ =	shalt  }
0x67: {  	_ =	shalt  }
0x68: {  	_ =	shalt  }
0x69: {  	_ =	shalt  }
0x6a: {  	_ =	shalt  }
0x6b: {  	_ =	shalt  }
0x6c: {  	_ =	shalt  }
0x6d: {  	_ =	shalt  }
0x6e: {  	_ =	shalt  }
0x6f: {  	_ =	shalt  }
0x70: {  	_ =	shalt  }
0x71: {  	_ =	shalt  }
0x72: {  	_ =	shalt  }
0x73: {  	_ =	shalt  }
0x74: {  	_ =	shalt  }
0x75: {  	_ =	shalt  }
0x76: {  	_ =	shalt  }
0x77: {  	_ =	shalt  }
0x78: {  	_ =	shalt  }
0x79: {  	_ =	shalt  }
0x7a: {  	_ =	shalt  }
0x7b: {  	_ =	shalt  }
0x7c: {  	_ =	shalt  }
0x7d: {  	_ =	shalt  }
0x7e: {  	_ =	shalt  }
0x7f: {  	_ =	shalt  }
0x80: {  	_ =	shalt  }
0x81: {  	_ =	shalt  }
0x82: {  	_ =	shalt  }
0x83: {  	_ =	shalt  }
0x84: {  	_ =	shalt  }
0x85: {  	_ =	shalt  }
0x86: {  	_ =	shalt  }
0x87: {  	_ =	shalt  }
.Lfunc_end0:
.L_simem_size_0:
called_computation_lowered:
.L_overlay_start_0:
0x88: {  	s2 =	sld [smem:$0x3FD9]  }
0x89: {  	s3 =	sld [smem:$0x3FFE];
	_ =	sdelay $0x1  }
0x8a: {  	s1 =	srdreg.scid  }
0x8b: {  	s0 =	sand.u32 $0x1, s1  }
0x8c: {  	s14 =	sshll.u32 s0, $0xA;
	s2 =	sadd.s32 s3, s2  }
0x8d: {  	s2 =	sadd.s32 s2, s14  }
0x8e: {  	[smem:$0x3FC7] =	sst s2  }
0x8f: {  	_ = 	snop  }
0x90: {  	s2 =	sld [smem:$0x3FD0];
	_ =	sdelay $0x2  }
0x91: {  	s15 =	simm.s32 $0xA;
	s4 =	simm.s32 $0x10  }
0x92: {  	[smem:s4], [sflag:s15] =	dma.local [hbm:s2], $0x1  }
0x93: {  	_ =	swait.eq [sflag:s15], $0x1  }
0x94: {  	[sflag:s15] =	ssyncset.done $0x0  }
0x95: {  	[sflag:s15] =	ssyncadd.s32 $0xFFFFFFFF  }
0x96: {  	s16 =	sld [smem:$0x11];
	(tm) =	ssettm $0x1  }
0x97: {  	s17 =	sld [smem:$0x3FFB];
	_ =	sdelay $0x3  }
0x98: {  	_ =	strace s17  }
0x99: {  	s3 =	sld [smem:$0x3FFC];
	_ =	sdelay $0x3  }
0x9a: {  	_ =	strace s3  }
0x9b: {  	s3 =	sld [smem:$0x3FFD];
	_ =	sdelay $0x3  }
0x9c: {  	_ =	strace s3  }
0x9d: {  	_ =	strace $0x8FFFFFFF  }
0x9e: {  	s18 =	sld [smem:$0x3FDB];
	_ =	sdelay $0x1  }
0x9f: {  	s19 =	simm.s32 $_scs_section_size  }
0xa0: {  	s5 =	simm.s32 $_size__tile_overlayer_lowered;
	s6 =	simm.s32 $_tile_overlayer_lowered  }
0xa1: {  	s22 =	simm.s32 $0x1BFF;
	s21 =	sshll.u32 s6, $0x1;
	s3 =	sadd.s32 s19, s18  }
0xa2: {  	s7 =	simm.s32 $0x0;
	s20 =	sshll.u32 s5, $0x1;
	s5 =	sadd.s32 s21, s3  }
0xa3: {  	[timem:s7], [sflag:s22] =	dma.local [hbm:s5], s20  }
0xa4: {  	_ =	swait.ge [sflag:s22], s20  }
0xa5: {  	s4 =	ssub.s32 $0x0, s20;
	[sflag:s22] =	ssyncset.done $0x0  }
0xa6: {  	[sflag:s22] =	ssyncadd.s32 s4;
	_ =	sdelay $0x1  }
0xa7: {  	s23 =	simm.s32 $0x1B8B  }
0xa8: {  	_ =	swait.ge [sflag:s23], $0x1  }
0xa9: {  	[sflag:s23] =	ssyncset.done $0x0  }
0xaa: {  	s25 =	simm.s32 $0x1B8E;
	s24 =	sld [smem:$0x3FFE];
	[sflag:s23] =	ssyncadd.s32 $0xFFFFFFFF  }
0xab: {  	s26 =	simm.s32 $execute0_lowered;
	[smem:$0x3FD2] =	sst s25  }
0xac: {  	s5 =	sshll.u32 s26, $0x1;
	_ =	strace $0x80000046;
	[dreg:$0x1] =	wrdreg $0xFFFFFFFF  }
0xad: {  	s28 =	simm.s32 $_size_execute0_lowered;
	s3 =	sadd.s32 s3, s5;
	[dreg:$0x0] =	wrdreg $0x0  }
0xae: {  	s5 =	sshll.u32 s28, $0x1;
	[dreg:$0x2] =	wrdreg s3  }
0xaf: {  	[dreg:$0x3] =	wrdreg s5  }
0xb0: {  	[dreg:$0x4] =	wrdreg $0xC0  }
0xb1: {  	_ =	task [dreg:s7], $0x5FFFF  }
0xb2: {  	[dreg:$0x1] =	wrdreg $0xFFFFFFFF  }
0xb3: {  	[dreg:$0x0] =	wrdreg $0x60  }
0xb4: {  	[dreg:$0x2] =	wrdreg s24  }
0xb5: {  	[dreg:$0x3] =	wrdreg s16  }
0xb6: {  	[dreg:$0x4] =	wrdreg $0x9  }
0xb7: {  	_ =	task.clear_ibuf [dreg:s7], $0x5FFFF;
	_ =	strace $0x90000046  }
0xb8: {  	s29 =	simm.s32 $0x9;
	_ =	strace $0x80000048  }
0xb9: {  	_ =	swait.ge [sflag:s29], $0x1  }
0xba: {  	[sflag:s29] =	ssyncadd.s32 $0xFFFFFFFF  }
0xbb: {  	_ =	strace $0x90000048  }
0xbc: {  	_ =	sfence  }
0xbd: {  	s30 =	sld [smem:$0x0];
	_ =	sdelay $0x2  }
0xbe: {  	s31 =	sshll.u32 s1, $0xD;
	s1 =	sshrl.u32 s1, $0x2  }
0xbf: {  	s3 =	sand.u32 $0x4000, s31;
	s1 =	sadd.s32 s1, s30  }
0xc0: {  	s0 =	sor.u32 s3, s0;
	s1 =	sshll.u32 s1, $0x11  }
0xc1: {  	s0 =	sor.u32 s1, s0  }
0xc2: {  	s0 =	sadd.s32 $0x8F2B, s0  }
0xc3: {  	[sflag:s0] =	ssyncadd.remote.s32 $0x1  }
0xc4: {  	_ =	sfence.sel $0xFFFF  }
0xc5: {  	[dreg:$0x0] =	wrdreg $0xFFFFFFFF;
	(pc) =	sbr.abs _section_cstart, $3  }
0xc6: {  	[dreg:$0x1] =	wrdreg $0xFFFFFFFF  }
0xc7: {  	_ =	task.clear_ibuf [dreg:s7], $0x2FFFF;
	_ =	strace $0x9FFFFFFF  }
0xc8: {  	(tm) =	ssettm $0x7FFFFFFF  }
0xc9: {  	_ =	shalt  }
tec
execute0_lowered:
.L_overlay_start_1:
0x0: {  	(tag) =	ssettag $0x1  }
0x1: {  	s4 =	rddreg [dreg:$0x0]  }
0x2: {  	s9 =	rddreg [dreg:$0x1]  }
0x3: {  	s0 =	rddreg [dreg:$0x2];
	s1 =	simm.s32 $0x0  }
0x4: {  	s5 =	srdreg.scid;
	s2 =	stileid.u32;
	s16 =	simm.s32 $0x3200  }
0x5: {  	s20 =	simm.s32 $0x0;
	[smem:$0x7FF] =	sst s1;
	s3 =	sadd.s32 $0x800, s4  }
0x6: {  	s5 =	sand.u32 $0x1, s5;
	s4 =	sadd.s32 $0x187800, s4;
	s7 =	sshll.u32 s2, $0x1  }
0x7: {  	s11 =	smul.u32 $0xC3800, s2;
	_ =	strace $0x80000047;
	s6 =	ssub.s32 $0x2, s5  }
0x8: {  	s10 =	sor.u32 s5, s7;
	s5 =	sshll.u32 s5, $0x9;
	s8 =	sshrl.u32 s6, $0x1  }
0x9: {  	s25 =	sshll.u32 s10, $0x2;
	s13 =	sshll.u32 s10, $0x8;
	s5 =	sor.u32 s5, s11  }
0xa: {  	s14 =	sshllo.u32 s10, $0x2;
	s10 =	sshll.u32 s10, $0xD;
	s12 =	ssub.s32 s6, s8  }
0xb: {  	s26 =	sor.u32 $0x1, s25;
	s28 =	sor.u32 $0x2, s25;
	s15 =	sshll.u32 s14, $0x7  }
0xc: {  	s19 =	sshll.u32 s14, $0x6;
	s9 =	sadd.s32 s9, s10;
	s13 =	sshrl.u32 s13, $0x2  }
0xd: {  	s14 =	simm.s32 $0x80;
	s17 =	sshll.u32 s26, $0x6;
	s7 =	sshll.u32 s26, $0x7  }
0xe: {  	s30 =	sshll.u32 s28, $0x7;
	s18 =	sshll.u32 s28, $0x6;
	s31 =	sand.u32 $0x380, s15  }
0xf: {  	s10 =	smax.u32 s12, $0x1;
	s12 =	simm.s32 $0x1;
	s15 =	simm.s32 $0x400  }
0x10: {  	s19 =	sshrl.u32 s19, $0x2;
	s29 =	sand.u32 $0x280, s7;
	s7 =	sand.u32 $0x300, s30  }
0x11: {  	s8 =	sor.u32 s31, s11;
	s17 =	sshrl.u32 s17, $0x2;
	s18 =	sshrl.u32 s18, $0x2  }
0x12: {  	v0 =	vimm.f32 $0.0e+00;
	s6 =	sor.u32 s29, s11;
	s7 =	sor.u32 s7, s11;
	s11 =	simm.s32 $0x13200  }
.LBB2_1:
0x13: {  	[tilespmem:s11], [sflag:$0x1] =	stream.linear.gather [hbm4b:s4+s1], $0x800, $0x38;
	[tilespmem:$0x13A00] =	vst v63  }
0x14: {  	_ =	swait.ge [sflag:s12], $0x800  }
0x15: {  	[sflag:s12] =	ssyncset.done $0x0  }
0x16: {  	s21 =	simm.s32 $0x40;
	s22 =	simm.s32 $0x0;
	[sflag:s12] =	ssyncadd.s32 $0xFFFFF800  }
.LBB2_2:
0x17: {  	p0 =	sne.s32 s21, $0x3FFC0;
	[tilespmem:s22+$0x3200] =	vst v0;
	s22 =	smov.u32 s21;
	s21 =	sadd.s32 $0x40, s21  }
.Ltmp0:
0x18: {  	(pc) =	sbr.rel @p0 .LBB2_2-.Ltmp0, $2  }
0x19: {  	_ =	sdelay $0x2  }
0x1a: {  	s22 =	sshra.s32 s22, $0x2  }
0x1b: {  	[tilespmem:s22+$0x3200] =	vst v0  }
0x1c: {  	s21 =	simm.s32 $0x0;
	s22 =	simm.s32 $0x0;
	v1 =	vld [tilespmem:s13+$0x13200]  }
.LBB2_4:
0x1d: {  	s23 =	smul.u32 $0x19000, s22;
	_ =	sdelay $0x1  }
0x1e: {  	s23 =	sadd.s32 s5, s23  }
0x1f: {  	s23 =	sshrl.u32 s23, $0x3  }
0x20: {  	s23 =	sadd.s32 s3, s23  }
0x21: {  	[tilespmem:s21], [sflag:$0x1] =	stream.strided.gather [hbm4b:s23+s14], $0x3200, s15, s14, $0x38;
	[tilespmem:$0x13A00] =	vst v63  }
0x22: {  	_ =	swait.ge [sflag:s12], $0x3200  }
0x23: {  	[sflag:s12] =	ssyncset.done $0x0  }
0x24: {  	s31 =	simm.s32 $0x0;
	[sflag:s12] =	ssyncadd.s32 $0xFFFFCE00  }
0x25: {  	v2 =	vld [tilespmem:s31+$0x0];
	_ =	sdelay $0x4  }
0x26: {  	v3 =	vsub.f32 v2, v1;
	_ =	sdelay $0x1  }
0x27: {  	v3 =	vmul.f32 $1.442695020e+00, v3;
	_ =	sdelay $0x1  }
0x28: {  	(erf) = vpow2.f32 v3;
	_ =	sdelay $0x1  }
0x29: {  	v3 =	vand.u32 $0x7FFFFFFF, v2  }
0x2a: {  	v4 =	vxor.u32 $0xFFFFFFFF, v2;
	vm0 =	vlt.s32 v2, $0x0;
	v3 =	vxor.u32 $0x80000000, v3  }
0x2b: {  	v2 =	vsel vm0, v4, v3  }
0x2c: {  	v2 =	vshrl.u32 v2, $0x12;
	_ =	sdelay $0x3  }
0x2d: {  	v3 =	vpop (erf)  }
0x2e: {  	[tilespmem:v2+s16+$0x0] =	vst.idx.add.f32.msk $0xffff, v3  }
0x2f: {  	v2 =	vld [tilespmem:s31+$0x10];
	_ =	sdelay $0x4  }
0x30: {  	v3 =	vsub.f32 v2, v1;
	_ =	sdelay $0x1  }
0x31: {  	v3 =	vmul.f32 $1.442695020e+00, v3;
	_ =	sdelay $0x1  }
0x32: {  	(erf) = vpow2.f32 v3;
	_ =	sdelay $0x1  }
0x33: {  	v3 =	vand.u32 $0x7FFFFFFF, v2  }
0x34: {  	v4 =	vxor.u32 $0xFFFFFFFF, v2;
	vm13 =	vlt.s32 v2, $0x0;
	v3 =	vxor.u32 $0x80000000, v3  }
0x35: {  	v2 =	vsel vm13, v4, v3  }
0x36: {  	v2 =	vshrl.u32 v2, $0x12;
	_ =	sdelay $0x3  }
0x37: {  	v3 =	vpop (erf)  }
0x38: {  	[tilespmem:v2+s16+$0x0] =	vst.idx.add.f32.msk $0xffff, v3  }
0x39: {  	v2 =	vld [tilespmem:s31+$0x20];
	_ =	sdelay $0x4  }
0x3a: {  	v3 =	vsub.f32 v2, v1;
	_ =	sdelay $0x1  }
0x3b: {  	v3 =	vmul.f32 $1.442695020e+00, v3;
	_ =	sdelay $0x1  }
0x3c: {  	(erf) = vpow2.f32 v3;
	_ =	sdelay $0x1  }
0x3d: {  	v3 =	vand.u32 $0x7FFFFFFF, v2  }
0x3e: {  	v4 =	vxor.u32 $0xFFFFFFFF, v2;
	vm14 =	vlt.s32 v2, $0x0;
	v3 =	vxor.u32 $0x80000000, v3  }
0x3f: {  	v2 =	vsel vm14, v4, v3  }
0x40: {  	v2 =	vshrl.u32 v2, $0x12;
	_ =	sdelay $0x3  }
0x41: {  	v3 =	vpop (erf)  }
0x42: {  	[tilespmem:v2+s16+$0x0] =	vst.idx.add.f32.msk $0xffff, v3  }
0x43: {  	v2 =	vld [tilespmem:s31+$0x30];
	_ =	sdelay $0x4  }
0x44: {  	v3 =	vsub.f32 v2, v1;
	_ =	sdelay $0x1  }
0x45: {  	v3 =	vmul.f32 $1.442695020e+00, v3;
	_ =	sdelay $0x1  }
0x46: {  	(erf) = vpow2.f32 v3;
	_ =	sdelay $0x2  }
0x47: {  	v3 =	vand.u32 $0x7FFFFFFF, v2  }
0x48: {  	v4 =	vxor.u32 $0xFFFFFFFF, v2;
	vm15 =	vlt.s32 v2, $0x0;
	v3 =	vxor.u32 $0x80000000, v3  }
0x49: {  	v2 =	vsel vm15, v4, v3  }
0x4a: {  	v2 =	vshrl.u32 v2, $0x12;
	_ =	sdelay $0x2  }
0x4b: {  	s24 =	simm.s32 $0x200;
	s23 =	simm.s32 $0x100;
	v3 =	vpop (erf)  }
.LBB2_5:
0x4c: {  	p0 =	sne.s32 s24, $0xC700  }
0x4d: {  	s25 =	sshra.s32 s23, $0x2;
	[tilespmem:v2+s16+$0x0] =	vst.idx.add.f32.msk $0xffff, v3;
	s23 =	smov.u32 s24;
	s24 =	sadd.s32 $0x100, s24  }
0x4e: {  	v2 =	vld [tilespmem:s25+$0x0];
	_ =	sdelay $0x4  }
0x4f: {  	v3 =	vand.u32 $0x7FFFFFFF, v2;
	v4 =	vsub.f32 v2, v1  }
0x50: {  	v5 =	vxor.u32 $0xFFFFFFFF, v2;
	vm0 =	vlt.s32 v2, $0x0;
	v3 =	vxor.u32 $0x80000000, v3  }
0x51: {  	v2 =	vsel vm0, v5, v3;
	v3 =	vmul.f32 $1.442695020e+00, v4;
	_ =	sdelay $0x1  }
0x52: {  	(erf) = vpow2.f32 v3;
	_ =	sdelay $0x4  }
0x53: {  	v2 =	vshrl.u32 v2, $0x12;
	_ =	sdelay $0x3  }
0x54: {  	v3 =	vpop (erf)  }
0x55: {  	[tilespmem:v2+s16+$0x0] =	vst.idx.add.f32.msk $0xffff, v3  }
0x56: {  	v2 =	vld [tilespmem:s25+$0x10];
	_ =	sdelay $0x4  }
0x57: {  	v3 =	vand.u32 $0x7FFFFFFF, v2;
	v4 =	vsub.f32 v2, v1  }
0x58: {  	v5 =	vxor.u32 $0xFFFFFFFF, v2;
	vm0 =	vlt.s32 v2, $0x0;
	v3 =	vxor.u32 $0x80000000, v3  }
0x59: {  	v2 =	vsel vm0, v5, v3;
	v3 =	vmul.f32 $1.442695020e+00, v4;
	_ =	sdelay $0x1  }
0x5a: {  	(erf) = vpow2.f32 v3;
	_ =	sdelay $0x4  }
0x5b: {  	v2 =	vshrl.u32 v2, $0x12;
	_ =	sdelay $0x3  }
0x5c: {  	v3 =	vpop (erf)  }
0x5d: {  	[tilespmem:v2+s16+$0x0] =	vst.idx.add.f32.msk $0xffff, v3  }
0x5e: {  	v2 =	vld [tilespmem:s25+$0x20];
	_ =	sdelay $0x4  }
0x5f: {  	v3 =	vand.u32 $0x7FFFFFFF, v2;
	v4 =	vsub.f32 v2, v1  }
0x60: {  	v5 =	vxor.u32 $0xFFFFFFFF, v2;
	vm0 =	vlt.s32 v2, $0x0;
	v3 =	vxor.u32 $0x80000000, v3  }
0x61: {  	v2 =	vsel vm0, v5, v3;
	v3 =	vmul.f32 $1.442695020e+00, v4;
	_ =	sdelay $0x1  }
0x62: {  	(erf) = vpow2.f32 v3;
	_ =	sdelay $0x4  }
0x63: {  	v2 =	vshrl.u32 v2, $0x12;
	_ =	sdelay $0x3  }
0x64: {  	v3 =	vpop (erf)  }
0x65: {  	[tilespmem:v2+s16+$0x0] =	vst.idx.add.f32.msk $0xffff, v3  }
0x66: {  	v2 =	vld [tilespmem:s25+$0x30];
	_ =	sdelay $0x4  }
0x67: {  	v3 =	vand.u32 $0x7FFFFFFF, v2;
	v4 =	vsub.f32 v2, v1  }
0x68: {  	v5 =	vxor.u32 $0xFFFFFFFF, v2;
	vm0 =	vlt.s32 v2, $0x0;
	v3 =	vxor.u32 $0x80000000, v3  }
0x69: {  	v2 =	vsel vm0, v5, v3;
	v3 =	vmul.f32 $1.442695020e+00, v4;
	_ =	sdelay $0x1  }
0x6a: {  	(erf) = vpow2.f32 v3;
	_ =	sdelay $0x4  }
.Ltmp1:
0x6b: {  	v2 =	vshrl.u32 v2, $0x12;
	(pc) =	sbr.rel @p0 .LBB2_5-.Ltmp1, $2  }
0x6c: {  	_ =	sdelay $0x2  }
0x6d: {  	v3 =	vpop (erf)  }
0x6e: {  	_ =	sdelay $0x3  }
0x6f: {  	s23 =	sshra.s32 s23, $0x2;
	[tilespmem:v2+s16+$0x0] =	vst.idx.add.f32.msk $0xffff, v3  }
0x70: {  	v2 =	vld [tilespmem:s23+$0x0];
	_ =	sdelay $0x4  }
0x71: {  	v3 =	vsub.f32 v2, v1;
	_ =	sdelay $0x1  }
0x72: {  	v3 =	vmul.f32 $1.442695020e+00, v3;
	_ =	sdelay $0x1  }
0x73: {  	(erf) = vpow2.f32 v3;
	_ =	sdelay $0x1  }
0x74: {  	v3 =	vand.u32 $0x7FFFFFFF, v2  }
0x75: {  	v4 =	vxor.u32 $0xFFFFFFFF, v2;
	vm0 =	vlt.s32 v2, $0x0;
	v3 =	vxor.u32 $0x80000000, v3  }
0x76: {  	v2 =	vsel vm0, v4, v3  }
0x77: {  	v2 =	vshrl.u32 v2, $0x12;
	_ =	sdelay $0x3  }
0x78: {  	v3 =	vpop (erf)  }
0x79: {  	[tilespmem:v2+s16+$0x0] =	vst.idx.add.f32.msk $0xffff, v3  }
0x7a: {  	v2 =	vld [tilespmem:s23+$0x10];
	_ =	sdelay $0x4  }
0x7b: {  	v3 =	vsub.f32 v2, v1;
	_ =	sdelay $0x1  }
0x7c: {  	v3 =	vmul.f32 $1.442695020e+00, v3;
	_ =	sdelay $0x1  }
0x7d: {  	(erf) = vpow2.f32 v3;
	_ =	sdelay $0x1  }
0x7e: {  	v3 =	vand.u32 $0x7FFFFFFF, v2  }
0x7f: {  	v61 =	vxor.u32 $0xFFFFFFFF, v2;
	vm13 =	vlt.s32 v2, $0x0;
	v3 =	vxor.u32 $0x80000000, v3  }
0x80: {  	v2 =	vsel vm13, v61, v3  }
0x81: {  	v2 =	vshrl.u32 v2, $0x12;
	_ =	sdelay $0x3  }
0x82: {  	v3 =	vpop (erf)  }
0x83: {  	[tilespmem:v2+s16+$0x0] =	vst.idx.add.f32.msk $0xffff, v3  }
0x84: {  	v2 =	vld [tilespmem:s23+$0x20];
	_ =	sdelay $0x4  }
0x85: {  	v3 =	vsub.f32 v2, v1;
	_ =	sdelay $0x1  }
0x86: {  	v3 =	vmul.f32 $1.442695020e+00, v3;
	_ =	sdelay $0x1  }
0x87: {  	(erf) = vpow2.f32 v3;
	_ =	sdelay $0x1  }
0x88: {  	v3 =	vand.u32 $0x7FFFFFFF, v2  }
0x89: {  	v62 =	vxor.u32 $0xFFFFFFFF, v2;
	vm14 =	vlt.s32 v2, $0x0;
	v3 =	vxor.u32 $0x80000000, v3  }
0x8a: {  	v2 =	vsel vm14, v62, v3  }
0x8b: {  	v2 =	vshrl.u32 v2, $0x12;
	_ =	sdelay $0x3  }
0x8c: {  	v3 =	vpop (erf)  }
0x8d: {  	[tilespmem:v2+s16+$0x0] =	vst.idx.add.f32.msk $0xffff, v3  }
0x8e: {  	v2 =	vld [tilespmem:s23+$0x30];
	_ =	sdelay $0x4  }
0x8f: {  	v3 =	vsub.f32 v2, v1;
	_ =	sdelay $0x1  }
0x90: {  	v3 =	vmul.f32 $1.442695020e+00, v3;
	_ =	sdelay $0x1  }
0x91: {  	(erf) = vpow2.f32 v3;
	_ =	sdelay $0x1  }
0x92: {  	v3 =	vand.u32 $0x7FFFFFFF, v2  }
0x93: {  	v63 =	vxor.u32 $0xFFFFFFFF, v2;
	vm15 =	vlt.s32 v2, $0x0;
	v3 =	vxor.u32 $0x80000000, v3  }
0x94: {  	s22 =	sadd.s32 $0x1, s22;
	v2 =	vsel vm15, v63, v3  }
0x95: {  	p0 =	sne.s32 s22, $0x7;
	v2 =	vshrl.u32 v2, $0x12  }
.Ltmp2:
0x96: {  	_ = 	snop;
	(pc) =	sbr.rel @p0 .LBB2_4-.Ltmp2, $3  }
0x97: {  	_ =	sdelay $0x1  }
0x98: {  	v3 =	vpop (erf)  }
0x99: {  	[tilespmem:v2+s16+$0x0] =	vst.idx.add.f32.msk $0xffff, v3  }
0x9a: {  	v1 =	vld [tilespmem:s17+$0x13200];
	s21 =	simm.s32 $0x0;
	s22 =	simm.s32 $0x0  }
.LBB2_8:
0x9b: {  	s23 =	smul.u32 $0x19000, s22;
	_ =	sdelay $0x1  }
0x9c: {  	s23 =	sadd.s32 s6, s23  }
0x9d: {  	s23 =	sshrl.u32 s23, $0x3  }
0x9e: {  	s23 =	sadd.s32 s3, s23  }
0x9f: {  	[tilespmem:s21], [sflag:$0x1] =	stream.strided.gather [hbm4b:s23+s14], $0x3200, s15, s14, $0x38;
	[tilespmem:$0x13A00] =	vst v63  }
0xa0: {  	_ =	swait.ge [sflag:s12], $0x3200  }
0xa1: {  	[sflag:s12] =	ssyncset.done $0x0  }
0xa2: {  	s31 =	simm.s32 $0x0;
	[sflag:s12] =	ssyncadd.s32 $0xFFFFCE00  }
0xa3: {  	v2 =	vld [tilespmem:s31+$0x0];
	_ =	sdelay $0x4  }
0xa4: {  	v3 =	vsub.f32 v2, v1;
	_ =	sdelay $0x1  }
0xa5: {  	v3 =	vmul.f32 $1.442695020e+00, v3;
	_ =	sdelay $0x1  }
0xa6: {  	(erf) = vpow2.f32 v3  }
0xa7: {  	v3 =	vand.u32 $0x7FFFFFFF, v2  }
0xa8: {  	v4 =	vxor.u32 $0xFFFFFFFF, v2;
	vm0 =	vlt.s32 v2, $0x0;
	v3 =	vxor.u32 $0x80000000, v3  }
0xa9: {  	v2 =	vsel vm0, v4, v3  }
0xaa: {  	v2 =	vshrl.u32 v2, $0x12  }
0xab: {  	v2 =	vor.u32 $0x4000, v2;
	_ =	sdelay $0x3  }
0xac: {  	v3 =	vpop (erf)  }
0xad: {  	[tilespmem:v2+s16+$0x0] =	vst.idx.add.f32.msk $0xffff, v3  }
0xae: {  	v2 =	vld [tilespmem:s31+$0x10];
	_ =	sdelay $0x4  }
0xaf: {  	v3 =	vsub.f32 v2, v1;
	_ =	sdelay $0x1  }
0xb0: {  	v3 =	vmul.f32 $1.442695020e+00, v3;
	_ =	sdelay $0x1  }
0xb1: {  	(erf) = vpow2.f32 v3  }
0xb2: {  	v3 =	vand.u32 $0x7FFFFFFF, v2  }
0xb3: {  	v4 =	vxor.u32 $0xFFFFFFFF, v2;
	vm13 =	vlt.s32 v2, $0x0;
	v3 =	vxor.u32 $0x80000000, v3  }
0xb4: {  	v2 =	vsel vm13, v4, v3  }
0xb5: {  	v2 =	vshrl.u32 v2, $0x12  }
0xb6: {  	v2 =	vor.u32 $0x4000, v2;
	_ =	sdelay $0x3  }
0xb7: {  	v3 =	vpop (erf)  }
0xb8: {  	[tilespmem:v2+s16+$0x0] =	vst.idx.add.f32.msk $0xffff, v3  }
0xb9: {  	v2 =	vld [tilespmem:s31+$0x20];
	_ =	sdelay $0x4  }
0xba: {  	v3 =	vsub.f32 v2, v1;
	_ =	sdelay $0x1  }
0xbb: {  	v3 =	vmul.f32 $1.442695020e+00, v3;
	_ =	sdelay $0x1  }
0xbc: {  	(erf) = vpow2.f32 v3  }
0xbd: {  	v3 =	vand.u32 $0x7FFFFFFF, v2  }
0xbe: {  	v4 =	vxor.u32 $0xFFFFFFFF, v2;
	vm14 =	vlt.s32 v2, $0x0;
	v3 =	vxor.u32 $0x80000000, v3  }
0xbf: {  	v2 =	vsel vm14, v4, v3  }
0xc0: {  	v2 =	vshrl.u32 v2, $0x12  }
0xc1: {  	v2 =	vor.u32 $0x4000, v2;
	_ =	sdelay $0x3  }
0xc2: {  	v3 =	vpop (erf)  }
0xc3: {  	[tilespmem:v2+s16+$0x0] =	vst.idx.add.f32.msk $0xffff, v3  }
0xc4: {  	v2 =	vld [tilespmem:s31+$0x30];
	_ =	sdelay $0x4  }
0xc5: {  	v3 =	vsub.f32 v2, v1;
	_ =	sdelay $0x1  }
0xc6: {  	v3 =	vmul.f32 $1.442695020e+00, v3;
	_ =	sdelay $0x1  }
0xc7: {  	(erf) = vpow2.f32 v3;
	_ =	sdelay $0x1  }
0xc8: {  	v3 =	vand.u32 $0x7FFFFFFF, v2  }
0xc9: {  	v4 =	vxor.u32 $0xFFFFFFFF, v2;
	vm15 =	vlt.s32 v2, $0x0;
	v3 =	vxor.u32 $0x80000000, v3  }
0xca: {  	v2 =	vsel vm15, v4, v3  }
0xcb: {  	v2 =	vshrl.u32 v2, $0x12  }
0xcc: {  	v2 =	vor.u32 $0x4000, v2;
	_ =	sdelay $0x2  }
0xcd: {  	s24 =	simm.s32 $0x200;
	s23 =	simm.s32 $0x100;
	v3 =	vpop (erf)  }
.LBB2_9:
0xce: {  	p0 =	sne.s32 s24, $0xC700  }
0xcf: {  	s25 =	sshra.s32 s23, $0x2;
	[tilespmem:v2+s16+$0x0] =	vst.idx.add.f32.msk $0xffff, v3;
	s23 =	smov.u32 s24;
	s24 =	sadd.s32 $0x100, s24  }
0xd0: {  	v2 =	vld [tilespmem:s25+$0x0];
	_ =	sdelay $0x4  }
0xd1: {  	v3 =	vand.u32 $0x7FFFFFFF, v2;
	v4 =	vsub.f32 v2, v1  }
0xd2: {  	v5 =	vxor.u32 $0xFFFFFFFF, v2;
	vm0 =	vlt.s32 v2, $0x0;
	v3 =	vxor.u32 $0x80000000, v3  }
0xd3: {  	v2 =	vsel vm0, v5, v3;
	v3 =	vmul.f32 $1.442695020e+00, v4  }
0xd4: {  	v2 =	vshrl.u32 v2, $0x12  }
0xd5: {  	(erf) = vpow2.f32 v3;
	_ =	sdelay $0x4  }
0xd6: {  	v2 =	vor.u32 $0x4000, v2;
	_ =	sdelay $0x3  }
0xd7: {  	v3 =	vpop (erf)  }
0xd8: {  	[tilespmem:v2+s16+$0x0] =	vst.idx.add.f32.msk $0xffff, v3  }
0xd9: {  	v2 =	vld [tilespmem:s25+$0x10];
	_ =	sdelay $0x4  }
0xda: {  	v3 =	vand.u32 $0x7FFFFFFF, v2;
	v4 =	vsub.f32 v2, v1  }
0xdb: {  	v5 =	vxor.u32 $0xFFFFFFFF, v2;
	vm0 =	vlt.s32 v2, $0x0;
	v3 =	vxor.u32 $0x80000000, v3  }
0xdc: {  	v2 =	vsel vm0, v5, v3;
	v3 =	vmul.f32 $1.442695020e+00, v4  }
0xdd: {  	v2 =	vshrl.u32 v2, $0x12  }
0xde: {  	(erf) = vpow2.f32 v3;
	_ =	sdelay $0x4  }
0xdf: {  	v2 =	vor.u32 $0x4000, v2;
	_ =	sdelay $0x3  }
0xe0: {  	v3 =	vpop (erf)  }
0xe1: {  	[tilespmem:v2+s16+$0x0] =	vst.idx.add.f32.msk $0xffff, v3  }
0xe2: {  	v2 =	vld [tilespmem:s25+$0x20];
	_ =	sdelay $0x4  }
0xe3: {  	v3 =	vand.u32 $0x7FFFFFFF, v2;
	v4 =	vsub.f32 v2, v1  }
0xe4: {  	v5 =	vxor.u32 $0xFFFFFFFF, v2;
	vm0 =	vlt.s32 v2, $0x0;
	v3 =	vxor.u32 $0x80000000, v3  }
0xe5: {  	v2 =	vsel vm0, v5, v3;
	v3 =	vmul.f32 $1.442695020e+00, v4  }
0xe6: {  	v2 =	vshrl.u32 v2, $0x12  }
0xe7: {  	(erf) = vpow2.f32 v3;
	_ =	sdelay $0x4  }
0xe8: {  	v2 =	vor.u32 $0x4000, v2;
	_ =	sdelay $0x3  }
0xe9: {  	v3 =	vpop (erf)  }
0xea: {  	[tilespmem:v2+s16+$0x0] =	vst.idx.add.f32.msk $0xffff, v3  }
0xeb: {  	v2 =	vld [tilespmem:s25+$0x30];
	_ =	sdelay $0x4  }
0xec: {  	v3 =	vand.u32 $0x7FFFFFFF, v2;
	v4 =	vsub.f32 v2, v1  }
0xed: {  	v5 =	vxor.u32 $0xFFFFFFFF, v2;
	vm0 =	vlt.s32 v2, $0x0;
	v3 =	vxor.u32 $0x80000000, v3  }
0xee: {  	v2 =	vsel vm0, v5, v3;
	v3 =	vmul.f32 $1.442695020e+00, v4  }
0xef: {  	v2 =	vshrl.u32 v2, $0x12  }
0xf0: {  	(erf) = vpow2.f32 v3;
	_ =	sdelay $0x4  }
.Ltmp3:
0xf1: {  	v2 =	vor.u32 $0x4000, v2;
	(pc) =	sbr.rel @p0 .LBB2_9-.Ltmp3, $2  }
0xf2: {  	_ =	sdelay $0x2  }
0xf3: {  	v3 =	vpop (erf)  }
0xf4: {  	_ =	sdelay $0x3  }
0xf5: {  	s23 =	sshra.s32 s23, $0x2;
	[tilespmem:v2+s16+$0x0] =	vst.idx.add.f32.msk $0xffff, v3  }
0xf6: {  	v2 =	vld [tilespmem:s23+$0x0];
	_ =	sdelay $0x4  }
0xf7: {  	v3 =	vsub.f32 v2, v1;
	_ =	sdelay $0x1  }
0xf8: {  	v3 =	vmul.f32 $1.442695020e+00, v3;
	_ =	sdelay $0x1  }
0xf9: {  	(erf) = vpow2.f32 v3  }
0xfa: {  	v3 =	vand.u32 $0x7FFFFFFF, v2  }
0xfb: {  	v4 =	vxor.u32 $0xFFFFFFFF, v2;
	vm0 =	vlt.s32 v2, $0x0;
	v3 =	vxor.u32 $0x80000000, v3  }
0xfc: {  	v2 =	vsel vm0, v4, v3  }
0xfd: {  	v2 =	vshrl.u32 v2, $0x12  }
0xfe: {  	v2 =	vor.u32 $0x4000, v2;
	_ =	sdelay $0x3  }
0xff: {  	v3 =	vpop (erf)  }
0x100: {  	[tilespmem:v2+s16+$0x0] =	vst.idx.add.f32.msk $0xffff, v3  }
0x101: {  	v2 =	vld [tilespmem:s23+$0x10];
	_ =	sdelay $0x4  }
0x102: {  	v3 =	vsub.f32 v2, v1;
	_ =	sdelay $0x1  }
0x103: {  	v3 =	vmul.f32 $1.442695020e+00, v3;
	_ =	sdelay $0x1  }
0x104: {  	(erf) = vpow2.f32 v3  }
0x105: {  	v3 =	vand.u32 $0x7FFFFFFF, v2  }
0x106: {  	v61 =	vxor.u32 $0xFFFFFFFF, v2;
	vm13 =	vlt.s32 v2, $0x0;
	v3 =	vxor.u32 $0x80000000, v3  }
0x107: {  	v2 =	vsel vm13, v61, v3  }
0x108: {  	v2 =	vshrl.u32 v2, $0x12  }
0x109: {  	v2 =	vor.u32 $0x4000, v2;
	_ =	sdelay $0x3  }
0x10a: {  	v3 =	vpop (erf)  }
0x10b: {  	[tilespmem:v2+s16+$0x0] =	vst.idx.add.f32.msk $0xffff, v3  }
0x10c: {  	v2 =	vld [tilespmem:s23+$0x20];
	_ =	sdelay $0x4  }
0x10d: {  	v3 =	vsub.f32 v2, v1;
	_ =	sdelay $0x1  }
0x10e: {  	v3 =	vmul.f32 $1.442695020e+00, v3;
	_ =	sdelay $0x1  }
0x10f: {  	(erf) = vpow2.f32 v3  }
0x110: {  	v3 =	vand.u32 $0x7FFFFFFF, v2  }
0x111: {  	v62 =	vxor.u32 $0xFFFFFFFF, v2;
	vm14 =	vlt.s32 v2, $0x0;
	v3 =	vxor.u32 $0x80000000, v3  }
0x112: {  	v2 =	vsel vm14, v62, v3  }
0x113: {  	v2 =	vshrl.u32 v2, $0x12  }
0x114: {  	v2 =	vor.u32 $0x4000, v2;
	_ =	sdelay $0x3  }
0x115: {  	v3 =	vpop (erf)  }
0x116: {  	[tilespmem:v2+s16+$0x0] =	vst.idx.add.f32.msk $0xffff, v3  }
0x117: {  	v2 =	vld [tilespmem:s23+$0x30];
	_ =	sdelay $0x4  }
0x118: {  	v3 =	vsub.f32 v2, v1;
	_ =	sdelay $0x1  }
0x119: {  	v3 =	vmul.f32 $1.442695020e+00, v3;
	_ =	sdelay $0x1  }
0x11a: {  	(erf) = vpow2.f32 v3  }
0x11b: {  	v3 =	vand.u32 $0x7FFFFFFF, v2  }
0x11c: {  	v63 =	vxor.u32 $0xFFFFFFFF, v2;
	vm15 =	vlt.s32 v2, $0x0;
	v3 =	vxor.u32 $0x80000000, v3  }
0x11d: {  	v2 =	vsel vm15, v63, v3  }
0x11e: {  	s22 =	sadd.s32 $0x1, s22;
	v2 =	vshrl.u32 v2, $0x12  }
0x11f: {  	p0 =	sne.s32 s22, $0x7;
	v2 =	vor.u32 $0x4000, v2  }
.Ltmp4:
0x120: {  	_ = 	snop;
	(pc) =	sbr.rel @p0 .LBB2_8-.Ltmp4, $3  }
0x121: {  	_ =	sdelay $0x1  }
0x122: {  	v3 =	vpop (erf)  }
0x123: {  	[tilespmem:v2+s16+$0x0] =	vst.idx.add.f32.msk $0xffff, v3  }
0x124: {  	v1 =	vld [tilespmem:s18+$0x13200];
	s21 =	simm.s32 $0x0;
	s22 =	simm.s32 $0x0  }
.LBB2_12:
0x125: {  	s23 =	smul.u32 $0x19000, s22;
	_ =	sdelay $0x1  }
0x126: {  	s23 =	sadd.s32 s7, s23  }
0x127: {  	s23 =	sshrl.u32 s23, $0x3  }
0x128: {  	s23 =	sadd.s32 s3, s23  }
0x129: {  	[tilespmem:s21], [sflag:$0x1] =	stream.strided.gather [hbm4b:s23+s14], $0x3200, s15, s14, $0x38;
	[tilespmem:$0x13A00] =	vst v63  }
0x12a: {  	_ =	swait.ge [sflag:s12], $0x3200  }
0x12b: {  	[sflag:s12] =	ssyncset.done $0x0  }
0x12c: {  	s31 =	simm.s32 $0x0;
	[sflag:s12] =	ssyncadd.s32 $0xFFFFCE00  }
0x12d: {  	v2 =	vld [tilespmem:s31+$0x0];
	_ =	sdelay $0x4  }
0x12e: {  	v3 =	vsub.f32 v2, v1;
	_ =	sdelay $0x1  }
0x12f: {  	v3 =	vmul.f32 $1.442695020e+00, v3;
	_ =	sdelay $0x1  }
0x130: {  	(erf) = vpow2.f32 v3  }
0x131: {  	v3 =	vand.u32 $0x7FFFFFFF, v2  }
0x132: {  	v4 =	vxor.u32 $0xFFFFFFFF, v2;
	vm0 =	vlt.s32 v2, $0x0;
	v3 =	vxor.u32 $0x80000000, v3  }
0x133: {  	v2 =	vsel vm0, v4, v3  }
0x134: {  	v2 =	vshrl.u32 v2, $0x12  }
0x135: {  	v2 =	vor.u32 $0x8000, v2;
	_ =	sdelay $0x3  }
0x136: {  	v3 =	vpop (erf)  }
0x137: {  	[tilespmem:v2+s16+$0x0] =	vst.idx.add.f32.msk $0xffff, v3  }
0x138: {  	v2 =	vld [tilespmem:s31+$0x10];
	_ =	sdelay $0x4  }
0x139: {  	v3 =	vsub.f32 v2, v1;
	_ =	sdelay $0x1  }
0x13a: {  	v3 =	vmul.f32 $1.442695020e+00, v3;
	_ =	sdelay $0x1  }
0x13b: {  	(erf) = vpow2.f32 v3  }
0x13c: {  	v3 =	vand.u32 $0x7FFFFFFF, v2  }
0x13d: {  	v4 =	vxor.u32 $0xFFFFFFFF, v2;
	vm13 =	vlt.s32 v2, $0x0;
	v3 =	vxor.u32 $0x80000000, v3  }
0x13e: {  	v2 =	vsel vm13, v4, v3  }
0x13f: {  	v2 =	vshrl.u32 v2, $0x12  }
0x140: {  	v2 =	vor.u32 $0x8000, v2;
	_ =	sdelay $0x3  }
0x141: {  	v3 =	vpop (erf)  }
0x142: {  	[tilespmem:v2+s16+$0x0] =	vst.idx.add.f32.msk $0xffff, v3  }
0x143: {  	v2 =	vld [tilespmem:s31+$0x20];
	_ =	sdelay $0x4  }
0x144: {  	v3 =	vsub.f32 v2, v1;
	_ =	sdelay $0x1  }
0x145: {  	v3 =	vmul.f32 $1.442695020e+00, v3;
	_ =	sdelay $0x1  }
0x146: {  	(erf) = vpow2.f32 v3  }
0x147: {  	v3 =	vand.u32 $0x7FFFFFFF, v2  }
0x148: {  	v4 =	vxor.u32 $0xFFFFFFFF, v2;
	vm14 =	vlt.s32 v2, $0x0;
	v3 =	vxor.u32 $0x80000000, v3  }
0x149: {  	v2 =	vsel vm14, v4, v3  }
0x14a: {  	v2 =	vshrl.u32 v2, $0x12  }
0x14b: {  	v2 =	vor.u32 $0x8000, v2;
	_ =	sdelay $0x3  }
0x14c: {  	v3 =	vpop (erf)  }
0x14d: {  	[tilespmem:v2+s16+$0x0] =	vst.idx.add.f32.msk $0xffff, v3  }
0x14e: {  	v2 =	vld [tilespmem:s31+$0x30];
	_ =	sdelay $0x4  }
0x14f: {  	v3 =	vsub.f32 v2, v1;
	_ =	sdelay $0x1  }
0x150: {  	v3 =	vmul.f32 $1.442695020e+00, v3;
	_ =	sdelay $0x1  }
0x151: {  	(erf) = vpow2.f32 v3;
	_ =	sdelay $0x1  }
0x152: {  	v3 =	vand.u32 $0x7FFFFFFF, v2  }
0x153: {  	v4 =	vxor.u32 $0xFFFFFFFF, v2;
	vm15 =	vlt.s32 v2, $0x0;
	v3 =	vxor.u32 $0x80000000, v3  }
0x154: {  	v2 =	vsel vm15, v4, v3  }
0x155: {  	v2 =	vshrl.u32 v2, $0x12  }
0x156: {  	v2 =	vor.u32 $0x8000, v2;
	_ =	sdelay $0x2  }
0x157: {  	s24 =	simm.s32 $0x200;
	s23 =	simm.s32 $0x100;
	v3 =	vpop (erf)  }
.LBB2_13:
0x158: {  	p0 =	sne.s32 s24, $0xC700  }
0x159: {  	s25 =	sshra.s32 s23, $0x2;
	[tilespmem:v2+s16+$0x0] =	vst.idx.add.f32.msk $0xffff, v3;
	s23 =	smov.u32 s24;
	s24 =	sadd.s32 $0x100, s24  }
0x15a: {  	v2 =	vld [tilespmem:s25+$0x0];
	_ =	sdelay $0x4  }
0x15b: {  	v3 =	vand.u32 $0x7FFFFFFF, v2;
	v4 =	vsub.f32 v2, v1  }
0x15c: {  	v5 =	vxor.u32 $0xFFFFFFFF, v2;
	vm0 =	vlt.s32 v2, $0x0;
	v3 =	vxor.u32 $0x80000000, v3  }
0x15d: {  	v2 =	vsel vm0, v5, v3;
	v3 =	vmul.f32 $1.442695020e+00, v4  }
0x15e: {  	v2 =	vshrl.u32 v2, $0x12  }
0x15f: {  	(erf) = vpow2.f32 v3;
	_ =	sdelay $0x4  }
0x160: {  	v2 =	vor.u32 $0x8000, v2;
	_ =	sdelay $0x3  }
0x161: {  	v3 =	vpop (erf)  }
0x162: {  	[tilespmem:v2+s16+$0x0] =	vst.idx.add.f32.msk $0xffff, v3  }
0x163: {  	v2 =	vld [tilespmem:s25+$0x10];
	_ =	sdelay $0x4  }
0x164: {  	v3 =	vand.u32 $0x7FFFFFFF, v2;
	v4 =	vsub.f32 v2, v1  }
0x165: {  	v5 =	vxor.u32 $0xFFFFFFFF, v2;
	vm0 =	vlt.s32 v2, $0x0;
	v3 =	vxor.u32 $0x80000000, v3  }
0x166: {  	v2 =	vsel vm0, v5, v3;
	v3 =	vmul.f32 $1.442695020e+00, v4  }
0x167: {  	v2 =	vshrl.u32 v2, $0x12  }
0x168: {  	(erf) = vpow2.f32 v3;
	_ =	sdelay $0x4  }
0x169: {  	v2 =	vor.u32 $0x8000, v2;
	_ =	sdelay $0x3  }
0x16a: {  	v3 =	vpop (erf)  }
0x16b: {  	[tilespmem:v2+s16+$0x0] =	vst.idx.add.f32.msk $0xffff, v3  }
0x16c: {  	v2 =	vld [tilespmem:s25+$0x20];
	_ =	sdelay $0x4  }
0x16d: {  	v3 =	vand.u32 $0x7FFFFFFF, v2;
	v4 =	vsub.f32 v2, v1  }
0x16e: {  	v5 =	vxor.u32 $0xFFFFFFFF, v2;
	vm0 =	vlt.s32 v2, $0x0;
	v3 =	vxor.u32 $0x80000000, v3  }
0x16f: {  	v2 =	vsel vm0, v5, v3;
	v3 =	vmul.f32 $1.442695020e+00, v4  }
0x170: {  	v2 =	vshrl.u32 v2, $0x12  }
0x171: {  	(erf) = vpow2.f32 v3;
	_ =	sdelay $0x4  }
0x172: {  	v2 =	vor.u32 $0x8000, v2;
	_ =	sdelay $0x3  }
0x173: {  	v3 =	vpop (erf)  }
0x174: {  	[tilespmem:v2+s16+$0x0] =	vst.idx.add.f32.msk $0xffff, v3  }
0x175: {  	v2 =	vld [tilespmem:s25+$0x30];
	_ =	sdelay $0x4  }
0x176: {  	v3 =	vand.u32 $0x7FFFFFFF, v2;
	v4 =	vsub.f32 v2, v1  }
0x177: {  	v5 =	vxor.u32 $0xFFFFFFFF, v2;
	vm0 =	vlt.s32 v2, $0x0;
	v3 =	vxor.u32 $0x80000000, v3  }
0x178: {  	v2 =	vsel vm0, v5, v3;
	v3 =	vmul.f32 $1.442695020e+00, v4  }
0x179: {  	v2 =	vshrl.u32 v2, $0x12  }
0x17a: {  	(erf) = vpow2.f32 v3;
	_ =	sdelay $0x4  }
.Ltmp5:
0x17b: {  	v2 =	vor.u32 $0x8000, v2;
	(pc) =	sbr.rel @p0 .LBB2_13-.Ltmp5, $2  }
0x17c: {  	_ =	sdelay $0x2  }
0x17d: {  	v3 =	vpop (erf)  }
0x17e: {  	_ =	sdelay $0x3  }
0x17f: {  	s23 =	sshra.s32 s23, $0x2;
	[tilespmem:v2+s16+$0x0] =	vst.idx.add.f32.msk $0xffff, v3  }
0x180: {  	v2 =	vld [tilespmem:s23+$0x0];
	_ =	sdelay $0x4  }
0x181: {  	v3 =	vsub.f32 v2, v1;
	_ =	sdelay $0x1  }
0x182: {  	v3 =	vmul.f32 $1.442695020e+00, v3;
	_ =	sdelay $0x1  }
0x183: {  	(erf) = vpow2.f32 v3  }
0x184: {  	v3 =	vand.u32 $0x7FFFFFFF, v2  }
0x185: {  	v4 =	vxor.u32 $0xFFFFFFFF, v2;
	vm0 =	vlt.s32 v2, $0x0;
	v3 =	vxor.u32 $0x80000000, v3  }
0x186: {  	v2 =	vsel vm0, v4, v3  }
0x187: {  	v2 =	vshrl.u32 v2, $0x12  }
0x188: {  	v2 =	vor.u32 $0x8000, v2;
	_ =	sdelay $0x3  }
0x189: {  	v3 =	vpop (erf)  }
0x18a: {  	[tilespmem:v2+s16+$0x0] =	vst.idx.add.f32.msk $0xffff, v3  }
0x18b: {  	v2 =	vld [tilespmem:s23+$0x10];
	_ =	sdelay $0x4  }
0x18c: {  	v3 =	vsub.f32 v2, v1;
	_ =	sdelay $0x1  }
0x18d: {  	v3 =	vmul.f32 $1.442695020e+00, v3;
	_ =	sdelay $0x1  }
0x18e: {  	(erf) = vpow2.f32 v3  }
0x18f: {  	v3 =	vand.u32 $0x7FFFFFFF, v2  }
0x190: {  	v61 =	vxor.u32 $0xFFFFFFFF, v2;
	vm13 =	vlt.s32 v2, $0x0;
	v3 =	vxor.u32 $0x80000000, v3  }
0x191: {  	v2 =	vsel vm13, v61, v3  }
0x192: {  	v2 =	vshrl.u32 v2, $0x12  }
0x193: {  	v2 =	vor.u32 $0x8000, v2;
	_ =	sdelay $0x3  }
0x194: {  	v3 =	vpop (erf)  }
0x195: {  	[tilespmem:v2+s16+$0x0] =	vst.idx.add.f32.msk $0xffff, v3  }
0x196: {  	v2 =	vld [tilespmem:s23+$0x20];
	_ =	sdelay $0x4  }
0x197: {  	v3 =	vsub.f32 v2, v1;
	_ =	sdelay $0x1  }
0x198: {  	v3 =	vmul.f32 $1.442695020e+00, v3;
	_ =	sdelay $0x1  }
0x199: {  	(erf) = vpow2.f32 v3  }
0x19a: {  	v3 =	vand.u32 $0x7FFFFFFF, v2  }
0x19b: {  	v62 =	vxor.u32 $0xFFFFFFFF, v2;
	vm14 =	vlt.s32 v2, $0x0;
	v3 =	vxor.u32 $0x80000000, v3  }
0x19c: {  	v2 =	vsel vm14, v62, v3  }
0x19d: {  	v2 =	vshrl.u32 v2, $0x12  }
0x19e: {  	v2 =	vor.u32 $0x8000, v2;
	_ =	sdelay $0x3  }
0x19f: {  	v3 =	vpop (erf)  }
0x1a0: {  	[tilespmem:v2+s16+$0x0] =	vst.idx.add.f32.msk $0xffff, v3  }
0x1a1: {  	v2 =	vld [tilespmem:s23+$0x30];
	_ =	sdelay $0x4  }
0x1a2: {  	v3 =	vsub.f32 v2, v1;
	_ =	sdelay $0x1  }
0x1a3: {  	v3 =	vmul.f32 $1.442695020e+00, v3;
	_ =	sdelay $0x1  }
0x1a4: {  	(erf) = vpow2.f32 v3  }
0x1a5: {  	v3 =	vand.u32 $0x7FFFFFFF, v2  }
0x1a6: {  	v63 =	vxor.u32 $0xFFFFFFFF, v2;
	vm15 =	vlt.s32 v2, $0x0;
	v3 =	vxor.u32 $0x80000000, v3  }
0x1a7: {  	v2 =	vsel vm15, v63, v3  }
0x1a8: {  	s22 =	sadd.s32 $0x1, s22;
	v2 =	vshrl.u32 v2, $0x12  }
0x1a9: {  	p0 =	sne.s32 s22, $0x7;
	v2 =	vor.u32 $0x8000, v2  }
.Ltmp6:
0x1aa: {  	_ = 	snop;
	(pc) =	sbr.rel @p0 .LBB2_12-.Ltmp6, $3  }
0x1ab: {  	_ =	sdelay $0x1  }
0x1ac: {  	v3 =	vpop (erf)  }
0x1ad: {  	[tilespmem:v2+s16+$0x0] =	vst.idx.add.f32.msk $0xffff, v3  }
0x1ae: {  	v1 =	vld [tilespmem:s19+$0x13200];
	s21 =	simm.s32 $0x0;
	s22 =	simm.s32 $0x0  }
.LBB2_16:
0x1af: {  	s23 =	smul.u32 $0x19000, s22;
	_ =	sdelay $0x1  }
0x1b0: {  	s23 =	sadd.s32 s8, s23  }
0x1b1: {  	s23 =	sshrl.u32 s23, $0x3  }
0x1b2: {  	s23 =	sadd.s32 s3, s23  }
0x1b3: {  	[tilespmem:s21], [sflag:$0x1] =	stream.strided.gather [hbm4b:s23+s14], $0x3200, s15, s14, $0x38;
	[tilespmem:$0x13A00] =	vst v63  }
0x1b4: {  	_ =	swait.ge [sflag:s12], $0x3200  }
0x1b5: {  	[sflag:s12] =	ssyncset.done $0x0  }
0x1b6: {  	s31 =	simm.s32 $0x0;
	[sflag:s12] =	ssyncadd.s32 $0xFFFFCE00  }
0x1b7: {  	v2 =	vld [tilespmem:s31+$0x0];
	_ =	sdelay $0x4  }
0x1b8: {  	v3 =	vsub.f32 v2, v1;
	_ =	sdelay $0x1  }
0x1b9: {  	v3 =	vmul.f32 $1.442695020e+00, v3;
	_ =	sdelay $0x1  }
0x1ba: {  	(erf) = vpow2.f32 v3  }
0x1bb: {  	v3 =	vand.u32 $0x7FFFFFFF, v2  }
0x1bc: {  	v4 =	vxor.u32 $0xFFFFFFFF, v2;
	vm0 =	vlt.s32 v2, $0x0;
	v3 =	vxor.u32 $0x80000000, v3  }
0x1bd: {  	v2 =	vsel vm0, v4, v3  }
0x1be: {  	v2 =	vshrl.u32 v2, $0x12  }
0x1bf: {  	v2 =	vor.u32 $0xC000, v2;
	_ =	sdelay $0x3  }
0x1c0: {  	v3 =	vpop (erf)  }
0x1c1: {  	[tilespmem:v2+s16+$0x0] =	vst.idx.add.f32.msk $0xffff, v3  }
0x1c2: {  	v2 =	vld [tilespmem:s31+$0x10];
	_ =	sdelay $0x4  }
0x1c3: {  	v3 =	vsub.f32 v2, v1;
	_ =	sdelay $0x1  }
0x1c4: {  	v3 =	vmul.f32 $1.442695020e+00, v3;
	_ =	sdelay $0x1  }
0x1c5: {  	(erf) = vpow2.f32 v3  }
0x1c6: {  	v3 =	vand.u32 $0x7FFFFFFF, v2  }
0x1c7: {  	v4 =	vxor.u32 $0xFFFFFFFF, v2;
	vm13 =	vlt.s32 v2, $0x0;
	v3 =	vxor.u32 $0x80000000, v3  }
0x1c8: {  	v2 =	vsel vm13, v4, v3  }
0x1c9: {  	v2 =	vshrl.u32 v2, $0x12  }
0x1ca: {  	v2 =	vor.u32 $0xC000, v2;
	_ =	sdelay $0x3  }
0x1cb: {  	v3 =	vpop (erf)  }
0x1cc: {  	[tilespmem:v2+s16+$0x0] =	vst.idx.add.f32.msk $0xffff, v3  }
0x1cd: {  	v2 =	vld [tilespmem:s31+$0x20];
	_ =	sdelay $0x4  }
0x1ce: {  	v3 =	vsub.f32 v2, v1;
	_ =	sdelay $0x1  }
0x1cf: {  	v3 =	vmul.f32 $1.442695020e+00, v3;
	_ =	sdelay $0x1  }
0x1d0: {  	(erf) = vpow2.f32 v3  }
0x1d1: {  	v3 =	vand.u32 $0x7FFFFFFF, v2  }
0x1d2: {  	v4 =	vxor.u32 $0xFFFFFFFF, v2;
	vm14 =	vlt.s32 v2, $0x0;
	v3 =	vxor.u32 $0x80000000, v3  }
0x1d3: {  	v2 =	vsel vm14, v4, v3  }
0x1d4: {  	v2 =	vshrl.u32 v2, $0x12  }
0x1d5: {  	v2 =	vor.u32 $0xC000, v2;
	_ =	sdelay $0x3  }
0x1d6: {  	v3 =	vpop (erf)  }
0x1d7: {  	[tilespmem:v2+s16+$0x0] =	vst.idx.add.f32.msk $0xffff, v3  }
0x1d8: {  	v2 =	vld [tilespmem:s31+$0x30];
	_ =	sdelay $0x4  }
0x1d9: {  	v3 =	vsub.f32 v2, v1;
	_ =	sdelay $0x1  }
0x1da: {  	v3 =	vmul.f32 $1.442695020e+00, v3;
	_ =	sdelay $0x1  }
0x1db: {  	(erf) = vpow2.f32 v3;
	_ =	sdelay $0x1  }
0x1dc: {  	v3 =	vand.u32 $0x7FFFFFFF, v2  }
0x1dd: {  	v4 =	vxor.u32 $0xFFFFFFFF, v2;
	vm15 =	vlt.s32 v2, $0x0;
	v3 =	vxor.u32 $0x80000000, v3  }
0x1de: {  	v2 =	vsel vm15, v4, v3  }
0x1df: {  	v2 =	vshrl.u32 v2, $0x12  }
0x1e0: {  	v2 =	vor.u32 $0xC000, v2;
	_ =	sdelay $0x2  }
0x1e1: {  	s24 =	simm.s32 $0x200;
	s23 =	simm.s32 $0x100;
	v3 =	vpop (erf)  }
.LBB2_17:
0x1e2: {  	p0 =	sne.s32 s24, $0xC700  }
0x1e3: {  	s25 =	sshra.s32 s23, $0x2;
	[tilespmem:v2+s16+$0x0] =	vst.idx.add.f32.msk $0xffff, v3;
	s23 =	smov.u32 s24;
	s24 =	sadd.s32 $0x100, s24  }
0x1e4: {  	v2 =	vld [tilespmem:s25+$0x0];
	_ =	sdelay $0x4  }
0x1e5: {  	v3 =	vand.u32 $0x7FFFFFFF, v2;
	v4 =	vsub.f32 v2, v1  }
0x1e6: {  	v5 =	vxor.u32 $0xFFFFFFFF, v2;
	vm0 =	vlt.s32 v2, $0x0;
	v3 =	vxor.u32 $0x80000000, v3  }
0x1e7: {  	v2 =	vsel vm0, v5, v3;
	v3 =	vmul.f32 $1.442695020e+00, v4  }
0x1e8: {  	v2 =	vshrl.u32 v2, $0x12  }
0x1e9: {  	(erf) = vpow2.f32 v3;
	_ =	sdelay $0x4  }
0x1ea: {  	v2 =	vor.u32 $0xC000, v2;
	_ =	sdelay $0x3  }
0x1eb: {  	v3 =	vpop (erf)  }
0x1ec: {  	[tilespmem:v2+s16+$0x0] =	vst.idx.add.f32.msk $0xffff, v3  }
0x1ed: {  	v2 =	vld [tilespmem:s25+$0x10];
	_ =	sdelay $0x4  }
0x1ee: {  	v3 =	vand.u32 $0x7FFFFFFF, v2;
	v4 =	vsub.f32 v2, v1  }
0x1ef: {  	v5 =	vxor.u32 $0xFFFFFFFF, v2;
	vm0 =	vlt.s32 v2, $0x0;
	v3 =	vxor.u32 $0x80000000, v3  }
0x1f0: {  	v2 =	vsel vm0, v5, v3;
	v3 =	vmul.f32 $1.442695020e+00, v4  }
0x1f1: {  	v2 =	vshrl.u32 v2, $0x12  }
0x1f2: {  	(erf) = vpow2.f32 v3;
	_ =	sdelay $0x4  }
0x1f3: {  	v2 =	vor.u32 $0xC000, v2;
	_ =	sdelay $0x3  }
0x1f4: {  	v3 =	vpop (erf)  }
0x1f5: {  	[tilespmem:v2+s16+$0x0] =	vst.idx.add.f32.msk $0xffff, v3  }
0x1f6: {  	v2 =	vld [tilespmem:s25+$0x20];
	_ =	sdelay $0x4  }
0x1f7: {  	v3 =	vand.u32 $0x7FFFFFFF, v2;
	v4 =	vsub.f32 v2, v1  }
0x1f8: {  	v5 =	vxor.u32 $0xFFFFFFFF, v2;
	vm0 =	vlt.s32 v2, $0x0;
	v3 =	vxor.u32 $0x80000000, v3  }
0x1f9: {  	v2 =	vsel vm0, v5, v3;
	v3 =	vmul.f32 $1.442695020e+00, v4  }
0x1fa: {  	v2 =	vshrl.u32 v2, $0x12  }
0x1fb: {  	(erf) = vpow2.f32 v3;
	_ =	sdelay $0x4  }
0x1fc: {  	v2 =	vor.u32 $0xC000, v2;
	_ =	sdelay $0x3  }
0x1fd: {  	v3 =	vpop (erf)  }
0x1fe: {  	[tilespmem:v2+s16+$0x0] =	vst.idx.add.f32.msk $0xffff, v3  }
0x1ff: {  	v2 =	vld [tilespmem:s25+$0x30];
	_ =	sdelay $0x4  }
0x200: {  	v3 =	vand.u32 $0x7FFFFFFF, v2;
	v4 =	vsub.f32 v2, v1  }
0x201: {  	v5 =	vxor.u32 $0xFFFFFFFF, v2;
	vm0 =	vlt.s32 v2, $0x0;
	v3 =	vxor.u32 $0x80000000, v3  }
0x202: {  	v2 =	vsel vm0, v5, v3;
	v3 =	vmul.f32 $1.442695020e+00, v4  }
0x203: {  	v2 =	vshrl.u32 v2, $0x12  }
0x204: {  	(erf) = vpow2.f32 v3;
	_ =	sdelay $0x4  }
.Ltmp7:
0x205: {  	v2 =	vor.u32 $0xC000, v2;
	(pc) =	sbr.rel @p0 .LBB2_17-.Ltmp7, $2  }
0x206: {  	_ =	sdelay $0x2  }
0x207: {  	v3 =	vpop (erf)  }
0x208: {  	_ =	sdelay $0x3  }
0x209: {  	s23 =	sshra.s32 s23, $0x2;
	[tilespmem:v2+s16+$0x0] =	vst.idx.add.f32.msk $0xffff, v3  }
0x20a: {  	v2 =	vld [tilespmem:s23+$0x0];
	_ =	sdelay $0x4  }
0x20b: {  	v3 =	vsub.f32 v2, v1;
	_ =	sdelay $0x1  }
0x20c: {  	v3 =	vmul.f32 $1.442695020e+00, v3;
	_ =	sdelay $0x1  }
0x20d: {  	(erf) = vpow2.f32 v3  }
0x20e: {  	v3 =	vand.u32 $0x7FFFFFFF, v2  }
0x20f: {  	v4 =	vxor.u32 $0xFFFFFFFF, v2;
	vm0 =	vlt.s32 v2, $0x0;
	v3 =	vxor.u32 $0x80000000, v3  }
0x210: {  	v2 =	vsel vm0, v4, v3  }
0x211: {  	v2 =	vshrl.u32 v2, $0x12  }
0x212: {  	v2 =	vor.u32 $0xC000, v2;
	_ =	sdelay $0x3  }
0x213: {  	v3 =	vpop (erf)  }
0x214: {  	[tilespmem:v2+s16+$0x0] =	vst.idx.add.f32.msk $0xffff, v3  }
0x215: {  	v2 =	vld [tilespmem:s23+$0x10];
	_ =	sdelay $0x4  }
0x216: {  	v3 =	vsub.f32 v2, v1;
	_ =	sdelay $0x1  }
0x217: {  	v3 =	vmul.f32 $1.442695020e+00, v3;
	_ =	sdelay $0x1  }
0x218: {  	(erf) = vpow2.f32 v3  }
0x219: {  	v3 =	vand.u32 $0x7FFFFFFF, v2  }
0x21a: {  	v61 =	vxor.u32 $0xFFFFFFFF, v2;
	vm13 =	vlt.s32 v2, $0x0;
	v3 =	vxor.u32 $0x80000000, v3  }
0x21b: {  	v2 =	vsel vm13, v61, v3  }
0x21c: {  	v2 =	vshrl.u32 v2, $0x12  }
0x21d: {  	v2 =	vor.u32 $0xC000, v2;
	_ =	sdelay $0x3  }
0x21e: {  	v3 =	vpop (erf)  }
0x21f: {  	[tilespmem:v2+s16+$0x0] =	vst.idx.add.f32.msk $0xffff, v3  }
0x220: {  	v2 =	vld [tilespmem:s23+$0x20];
	_ =	sdelay $0x4  }
0x221: {  	v3 =	vsub.f32 v2, v1;
	_ =	sdelay $0x1  }
0x222: {  	v3 =	vmul.f32 $1.442695020e+00, v3;
	_ =	sdelay $0x1  }
0x223: {  	(erf) = vpow2.f32 v3  }
0x224: {  	v3 =	vand.u32 $0x7FFFFFFF, v2  }
0x225: {  	v62 =	vxor.u32 $0xFFFFFFFF, v2;
	vm14 =	vlt.s32 v2, $0x0;
	v3 =	vxor.u32 $0x80000000, v3  }
0x226: {  	v2 =	vsel vm14, v62, v3  }
0x227: {  	v2 =	vshrl.u32 v2, $0x12  }
0x228: {  	v2 =	vor.u32 $0xC000, v2;
	_ =	sdelay $0x3  }
0x229: {  	v3 =	vpop (erf)  }
0x22a: {  	[tilespmem:v2+s16+$0x0] =	vst.idx.add.f32.msk $0xffff, v3  }
0x22b: {  	v2 =	vld [tilespmem:s23+$0x30];
	_ =	sdelay $0x4  }
0x22c: {  	v3 =	vsub.f32 v2, v1;
	_ =	sdelay $0x1  }
0x22d: {  	v3 =	vmul.f32 $1.442695020e+00, v3;
	_ =	sdelay $0x1  }
0x22e: {  	(erf) = vpow2.f32 v3  }
0x22f: {  	v3 =	vand.u32 $0x7FFFFFFF, v2  }
0x230: {  	v63 =	vxor.u32 $0xFFFFFFFF, v2;
	vm15 =	vlt.s32 v2, $0x0;
	v3 =	vxor.u32 $0x80000000, v3  }
0x231: {  	v2 =	vsel vm15, v63, v3  }
0x232: {  	s22 =	sadd.s32 $0x1, s22;
	v2 =	vshrl.u32 v2, $0x12  }
0x233: {  	p0 =	sne.s32 s22, $0x7;
	v2 =	vor.u32 $0xC000, v2  }
.Ltmp8:
0x234: {  	_ = 	snop;
	(pc) =	sbr.rel @p0 .LBB2_16-.Ltmp8, $3  }
0x235: {  	_ =	sdelay $0x1  }
0x236: {  	v3 =	vpop (erf)  }
0x237: {  	[tilespmem:v2+s16+$0x0] =	vst.idx.add.f32.msk $0xffff, v3  }
0x238: {  	s20 =	sadd.s32 $0x1, s20  }
0x239: {  	p0 =	sne.s32 s20, s10  }
.Ltmp9:
0x23a: {  	_ = 	snop;
	(pc) =	sbr.rel @p0 .LBB2_1-.Ltmp9, $4  }
0x23b: {  	[hbm4b:s9+s1] =	stream.linear.scatter [tilespmem:s16], [sflag:$0x1], $0x10000, $0x38;
	[tilespmem:$0x13A00] =	vst v63  }
0x23c: {  	_ =	swait.ge [sflag:s12], $0x10000  }
0x23d: {  	[sflag:s12] =	ssyncset.done $0x0  }
0x23e: {  	[sflag:s12] =	ssyncadd.s32 $0xFFFF0000  }
0x23f: {  	_ =	sfence.sel $0x180000  }
0x240: {  	[bflag:$0x0] =	sbarrier.arrive $0xFFFF  }
0x241: {  	p0 =	sne.s32 s2, $0x0;
	_ =	strace $0x90000047  }
0x242: {  	s0 =	sadd.s32 @!p0 $0x100000, s0;
	[bflag:$0x2] =	sbarrier.arrive $0xFFFF  }
0x243: {  	[sflag:s0] =	ssyncadd.tile.s32 @!p0 $0x1;
	_ =	shalt  }
.Lfunc_end2:
_tile_overlayer_lowered:
.L_overlay_start_2:
0x244: {  	(tag) =	ssettag $0x2  }
0x245: {  	s0 =	rddreg [dreg:$0x0];
	s2 =	stileid.u32  }
0x246: {  	s1 =	rddreg [dreg:$0x1];
	p0 =	sne.s32 s2, $0x0  }
0x247: {  	s3 =	rddreg [dreg:$0x2];
	[bflag:$0x3] =	sbarrier.arrive $0xFFFF;
	s2 =	simm.s32 @!p0 $0x1C01  }
0x248: {  	[timem:s3], [sflag:s2] =	dma.local @!p0 [hbm:s0], s1  }
0x249: {  	s0 =	simm.s32 @!p0 $0x1  }
0x24a: {  	_ =	swait.ge @!p0 [sflag:s0], s1  }
0x24b: {  	s1 =	ssub.s32 @!p0 $0x0, s1;
	[sflag:s0] =	ssyncset.done @!p0 $0x0  }
0x24c: {  	[sflag:s0] =	ssyncadd.s32 @!p0 s1  }
0x24d: {  	[bflag:$0x3] =	sbarrier.arrive $0xFFFF  }
0x24e: {  	_ =	shalt  }

</sc_bundles>
